<compile_context>
chip_gen: v7x
topology: tpu7x:2x2x1
jax: 0.10.2.dev20260603
libtpu: 0.0.44.dev20260713+nightly
codegen_flags: <defaults>
</compile_context>

<pallas_src>
import functools

import jax
import jax.numpy as jnp
from jax import lax
from jax.experimental import pallas as pl
from jax.experimental.pallas import tpu as pltpu
from jax.experimental.pallas import tpu_sc as plsc



def _proj_body(t_ref, w_ref, b_ref, o_ref):
    o_ref[...] = jnp.maximum(
        jnp.dot(t_ref[...], w_ref[...], preferred_element_type=jnp.float32)
        + b_ref[...],
        0.0,
    )


def _project(table, W, b):
    V, E = table.shape
    O = W.shape[1]
    BR = 1000
    return pl.pallas_call(
        _proj_body,
        grid=(V // BR,),
        in_specs=[
            pl.BlockSpec((BR, E), lambda i: (i, 0)),
            pl.BlockSpec((E, O), lambda i: (0, 0)),
            pl.BlockSpec((1, O), lambda i: (0, 0)),
        ],
        out_specs=pl.BlockSpec((BR, O), lambda i: (i, 0)),
        out_shape=jax.ShapeDtypeStruct((V, O), jnp.float32),
    )(table, W, b.reshape(1, O))



@functools.lru_cache(maxsize=None)
def _make_gather(V, O, Bm, S, CW):
    info = plsc.get_sparse_core_info()
    NC, NS = info.num_cores, info.num_subcores
    NW = NC * NS
    assert Bm % (NW * CW) == 0
    bpw = Bm // NW
    kpt = bpw // CW
    chunks = S * kpt
    mesh = plsc.VectorSubcoreMesh(core_axis_name="c", subcore_axis_name="s")

    @functools.partial(
        pl.kernel,
        mesh=mesh,
        out_type=jax.ShapeDtypeStruct((S, Bm, O), jnp.float32),
        scratch_types=[
            pltpu.VMEM((S, bpw), jnp.int32),
            pltpu.VMEM((2, CW, O), jnp.float32),
            pltpu.SemaphoreType.DMA,
            pltpu.SemaphoreType.DMA,
        ],
    )
    def gather(tbl_hbm, idx_hbm, out_hbm, idx_v, rows_v, sem0, sem1):
        wid = lax.axis_index("s") * NC + lax.axis_index("c")
        sems = (sem0, sem1)
        col0 = wid * bpw
        pltpu.sync_copy(idx_hbm.at[:, pl.ds(col0, bpw)], idx_v)

        def chunk_idx(c):
            t = c // kpt
            k = lax.rem(c, kpt)
            return idx_v.at[t, pl.ds(k * CW, CW)]

        for b in range(2):
            pltpu.async_copy(tbl_hbm.at[chunk_idx(b)], rows_v.at[b], sems[b])

        def step(i, carry):
            c0 = i * 2
            for b in range(2):
                c = c0 + b
                t = c // kpt
                k = lax.rem(c, kpt)
                pltpu.make_async_copy(
                    tbl_hbm.at[chunk_idx(c)], rows_v.at[b], sems[b]
                ).wait()
                pltpu.sync_copy(
                    rows_v.at[b],
                    out_hbm.at[t].at[pl.ds(col0 + k * CW, CW)],
                )

                @pl.when(c + 2 < chunks)
                def _():
                    pltpu.async_copy(
                        tbl_hbm.at[chunk_idx(c + 2)], rows_v.at[b], sems[b]
                    )

            return carry

        lax.fori_loop(0, chunks // 2, step, 0)

    return gather


def kernel(input_ids, table, W, b):
    Bm, S = input_ids.shape
    V, E = table.shape
    O = W.shape[1]
    CW = 64
    proj = _project(table, W, b)
    ids_t = jnp.transpose(input_ids.astype(jnp.int32))
    out_t = _make_gather(V, O, Bm, S, CW)(proj, ids_t)
    return jnp.transpose(out_t, (1, 0, 2))

# --- scband reference (transcript-rebuilt; emitter-appended) ---
"""Pipeline reference for scband-my-model-61933428414872 (READ-ONLY COPY).

The authoritative reference and input builder live on the scoring server;
editing this copy changes nothing except your own understanding.
"""

import jax, jax.numpy as jnp
import numpy as np

VOCAB = 10000
EMBED = 256
OUT = 512

def setup_inputs(seed: int = 0) -> dict:
    key = jax.random.key(seed)
    k1, k2, k3, k4 = jax.random.split(key, 4)
    input_ids = jax.random.randint(k1, (16384, 50), 0, VOCAB, dtype=jnp.int64 if jax.config.jax_enable_x64 else jnp.int32)
    table = jax.random.normal(k2, (VOCAB, EMBED), dtype=jnp.float32)
    # nn.Linear default init: U(-1/sqrt(fan_in), 1/sqrt(fan_in))
    bound = 1.0 / np.sqrt(EMBED)
    W = jax.random.uniform(k3, (EMBED, OUT), dtype=jnp.float32, minval=-bound, maxval=bound)
    b = jax.random.uniform(k4, (OUT,), dtype=jnp.float32, minval=-bound, maxval=bound)
    return {"input_ids": input_ids, "table": table, "W": W, "b": b}

def reference(input_ids, table, W, b):
    x = jnp.take(table, input_ids, axis=0)          # embedding lookup (gather)
    x = jnp.dot(x, W) + b                            # linear
    return jax.nn.relu(x)

if __name__ == "__main__":
    import jax
    _d = setup_inputs()
    print(jax.jit(kernel)(*tuple(_d.values())))

</pallas_src>

<mosaic_0001>
#map = affine_map<(d0, d1) -> (0, 0)>
#map1 = affine_map<(d0, d1) -> (0, 0, 0)>
module attributes {stable_mosaic.version = 14 : i64} {
  func.func @gather(%arg0: i32, %arg1: i32, %arg2: memref<10000x512xf32, #tpu.memory_space<hbm>>, %arg3: memref<50x16384xi32, #tpu.memory_space<hbm>>, %arg4: memref<50x16384x512xf32, #tpu.memory_space<hbm>>, %arg5: memref<50x512xi32, #tpu.memory_space<vmem>>, %arg6: memref<2x64x512xf32, #tpu.memory_space<vmem>>, %arg7: memref<!tpu.dma_semaphore, #tpu.memory_space<semaphore_mem>>, %arg8: memref<!tpu.dma_semaphore, #tpu.memory_space<semaphore_mem>>) attributes {dimension_semantics = [#tpu.dimension_semantics<core_parallel>, #tpu.dimension_semantics<subcore_parallel>], iteration_bounds = array<i64: 2, 16>, scalar_prefetch = 0 : i64, scratch_operands = 4 : i64, tpu.core_type = #tpu.core_type<sc_vector_subcore>, window_params = [{transform_indices = #map}, {transform_indices = #map}, {transform_indices = #map1}]} {
    %mul3A = arith.constant 2 : i32
    %mul3A_0 = arith.muli %arg1, %mul3A : i32
    %add3A = arith.addi %mul3A_0, %arg0 : i32
    %mul3A_1 = arith.constant 512 : i32
    %mul3A_2 = arith.muli %add3A, %mul3A_1 : i32
    "tpu.region"() ({
      %run_scoped3A = tpu.sem_alloc : memref<!tpu.dma_semaphore, #tpu.memory_space<semaphore_mem>>
      %dma_start3A_38 = arith.constant 0 : i32
      %dma_start3A_39 = tpu.memref_slice %arg3[%dma_start3A_38, %mul3A_2] : memref<50x16384xi32, #tpu.memory_space<hbm>> -> memref<50x512xi32, #tpu.memory_space<hbm>>
      %dma_start3A_40 = arith.constant 0 : i32
      %dma_start3A_41 = tpu.memref_slice %arg3[%dma_start3A_40, %mul3A_2] : memref<50x16384xi32, #tpu.memory_space<hbm>> -> memref<50x512xi32, #tpu.memory_space<hbm>>
      tpu.enqueue_dma source(%dma_start3A_41 : memref<50x512xi32, #tpu.memory_space<hbm>>) target(%arg5 : memref<50x512xi32, #tpu.memory_space<vmem>>) target_semaphore(%run_scoped3A : memref<!tpu.dma_semaphore, #tpu.memory_space<semaphore_mem>>)
      %dma_wait3A = arith.constant 0 : i32
      %dma_wait3A_42 = tpu.memref_slice %arg3[%dma_wait3A, %mul3A_2] : memref<50x16384xi32, #tpu.memory_space<hbm>> -> memref<50x512xi32, #tpu.memory_space<hbm>>
      %dma_wait3A_43 = arith.constant 0 : i32
      %dma_wait3A_44 = tpu.memref_slice %arg3[%dma_wait3A_43, %mul3A_2] : memref<50x16384xi32, #tpu.memory_space<hbm>> -> memref<50x512xi32, #tpu.memory_space<hbm>>
      tpu.wait_dma2 semaphore(%run_scoped3A : memref<!tpu.dma_semaphore, #tpu.memory_space<semaphore_mem>>) src(%dma_wait3A_44 : memref<50x512xi32, #tpu.memory_space<hbm>>) dst(%arg5 : memref<50x512xi32, #tpu.memory_space<vmem>>)
      tpu.yield
    }) : () -> ()
    %rem3A = arith.constant 0 : i32
    %rem3A_3 = arith.constant 8 : i32
    %rem3A_4 = arith.remsi %rem3A, %rem3A_3 : i32
    %mul3A_5 = arith.constant 64 : i32
    %mul3A_6 = arith.muli %rem3A_4, %mul3A_5 : i32
    %dma_start3A = arith.constant 0 : i32
    %dma_start3A_7 = arith.constant 0 : i32
    %dma_start3A_8 = arith.constant 0 : i32
    %dma_start3A_9 = arith.constant 0 : i32
    %dma_start3A_10 = tpu.memref_slice %arg6[%dma_start3A_7, %dma_start3A_8, %dma_start3A_9] : memref<2x64x512xf32, #tpu.memory_space<vmem>> -> memref<1x64x512xf32, #tpu.memory_space<vmem>>
    %dma_start3A_11 = tpu.memref_squeeze %dma_start3A_10 : memref<1x64x512xf32, #tpu.memory_space<vmem>> -> memref<64x512xf32, #tpu.memory_space<vmem>>
    %dma_start3A_12 = tpu.memref_slice %arg5[%dma_start3A, %mul3A_6] : memref<50x512xi32, #tpu.memory_space<vmem>> -> memref<1x64xi32, #tpu.memory_space<vmem>>
    %dma_start3A_13 = tpu.memref_squeeze %dma_start3A_12 : memref<1x64xi32, #tpu.memory_space<vmem>> -> memref<64xi32, #tpu.memory_space<vmem>>
    %dma_start3A_14 = arith.constant 0 : i32
    %dma_start3A_15 = arith.constant 0 : i32
    %dma_start3A_16 = tpu.memref_slice %arg2[%dma_start3A_14, %dma_start3A_15] : memref<10000x512xf32, #tpu.memory_space<hbm>> -> memref<10000x512xf32, #tpu.memory_space<hbm>>
    tpu.enqueue_indirect_dma source(%dma_start3A_16 : memref<10000x512xf32, #tpu.memory_space<hbm>>) target(%dma_start3A_11 : memref<64x512xf32, #tpu.memory_space<vmem>>) offsets(%dma_start3A_13 : memref<64xi32, #tpu.memory_space<vmem>>) semaphore(%arg7 : memref<!tpu.dma_semaphore, #tpu.memory_space<semaphore_mem>>)
    %rem3A_17 = arith.constant 1 : i32
    %rem3A_18 = arith.constant 8 : i32
    %rem3A_19 = arith.remsi %rem3A_17, %rem3A_18 : i32
    %mul3A_20 = arith.constant 64 : i32
    %mul3A_21 = arith.muli %rem3A_19, %mul3A_20 : i32
    %dma_start3A_22 = arith.constant 0 : i32
    %dma_start3A_23 = arith.constant 1 : i32
    %dma_start3A_24 = arith.constant 0 : i32
    %dma_start3A_25 = arith.constant 0 : i32
    %dma_start3A_26 = tpu.memref_slice %arg6[%dma_start3A_23, %dma_start3A_24, %dma_start3A_25] : memref<2x64x512xf32, #tpu.memory_space<vmem>> -> memref<1x64x512xf32, #tpu.memory_space<vmem>>
    %dma_start3A_27 = tpu.memref_squeeze %dma_start3A_26 : memref<1x64x512xf32, #tpu.memory_space<vmem>> -> memref<64x512xf32, #tpu.memory_space<vmem>>
    %dma_start3A_28 = tpu.memref_slice %arg5[%dma_start3A_22, %mul3A_21] : memref<50x512xi32, #tpu.memory_space<vmem>> -> memref<1x64xi32, #tpu.memory_space<vmem>>
    %dma_start3A_29 = tpu.memref_squeeze %dma_start3A_28 : memref<1x64xi32, #tpu.memory_space<vmem>> -> memref<64xi32, #tpu.memory_space<vmem>>
    %dma_start3A_30 = arith.constant 0 : i32
    %dma_start3A_31 = arith.constant 0 : i32
    %dma_start3A_32 = tpu.memref_slice %arg2[%dma_start3A_30, %dma_start3A_31] : memref<10000x512xf32, #tpu.memory_space<hbm>> -> memref<10000x512xf32, #tpu.memory_space<hbm>>
    tpu.enqueue_indirect_dma source(%dma_start3A_32 : memref<10000x512xf32, #tpu.memory_space<hbm>>) target(%dma_start3A_27 : memref<64x512xf32, #tpu.memory_space<vmem>>) offsets(%dma_start3A_29 : memref<64xi32, #tpu.memory_space<vmem>>) semaphore(%arg8 : memref<!tpu.dma_semaphore, #tpu.memory_space<semaphore_mem>>)
    %scan3A = arith.constant 0 : i32
    %scan3A_33 = arith.constant 0 : i32
    %scan3A_34 = arith.constant 200 : i32
    %scan3A_35 = arith.addi %scan3A_33, %scan3A_34 : i32
    %scan3A_36 = arith.constant 1 : i32
    scf.for %scan3A_38 = %scan3A_33 to %scan3A_35 step %scan3A_36  : i32 {
      %mul3A_39 = arith.constant 2 : i32
      %mul3A_40 = arith.muli %scan3A_38, %mul3A_39 : i32
      %add3A_41 = arith.constant 0 : i32
      %add3A_42 = arith.addi %mul3A_40, %add3A_41 : i32
      %jit3A = arith.constant 8 : i32
      %div3A = arith.divsi %add3A_42, %jit3A : i32
      %sign3A = arith.constant 0 : i32
      %sign3A_43 = arith.cmpi sgt, %add3A_42, %sign3A : i32
      %sign3A_44 = arith.extui %sign3A_43 : i1 to i32
      %sign3A_45 = arith.constant 0 : i32
      %sign3A_46 = arith.cmpi slt, %add3A_42, %sign3A_45 : i32
      %sign3A_47 = arith.extui %sign3A_46 : i1 to i32
      %sign3A_48 = arith.subi %sign3A_44, %sign3A_47 : i32
      %sign3A_49 = arith.constant 0 : i32
      %sign3A_50 = arith.cmpi sgt, %jit3A, %sign3A_49 : i32
      %sign3A_51 = arith.extui %sign3A_50 : i1 to i32
      %sign3A_52 = arith.constant 0 : i32
      %sign3A_53 = arith.cmpi slt, %jit3A, %sign3A_52 : i32
      %sign3A_54 = arith.extui %sign3A_53 : i1 to i32
      %sign3A_55 = arith.subi %sign3A_51, %sign3A_54 : i32
      %ne3A = arith.cmpi ne, %sign3A_48, %sign3A_55 : i32
      %rem3A_56 = arith.remsi %add3A_42, %jit3A : i32
      %ne3A_57 = arith.constant 0 : i32
      %ne3A_58 = arith.cmpi ne, %rem3A_56, %ne3A_57 : i32
      %and3A = arith.andi %ne3A, %ne3A_58 : i1
      %sub3A = arith.constant 1 : i32
      %sub3A_59 = arith.subi %div3A, %sub3A : i32
      %select_n3A = arith.select %and3A, %sub3A_59, %div3A : i32
      %rem3A_60 = arith.constant 8 : i32
      %rem3A_61 = arith.remsi %add3A_42, %rem3A_60 : i32
      %jit3A_62 = arith.constant 8 : i32
      %div3A_63 = arith.divsi %add3A_42, %jit3A_62 : i32
      %sign3A_64 = arith.constant 0 : i32
      %sign3A_65 = arith.cmpi sgt, %add3A_42, %sign3A_64 : i32
      %sign3A_66 = arith.extui %sign3A_65 : i1 to i32
      %sign3A_67 = arith.constant 0 : i32
      %sign3A_68 = arith.cmpi slt, %add3A_42, %sign3A_67 : i32
      %sign3A_69 = arith.extui %sign3A_68 : i1 to i32
      %sign3A_70 = arith.subi %sign3A_66, %sign3A_69 : i32
      %sign3A_71 = arith.constant 0 : i32
      %sign3A_72 = arith.cmpi sgt, %jit3A_62, %sign3A_71 : i32
      %sign3A_73 = arith.extui %sign3A_72 : i1 to i32
      %sign3A_74 = arith.constant 0 : i32
      %sign3A_75 = arith.cmpi slt, %jit3A_62, %sign3A_74 : i32
      %sign3A_76 = arith.extui %sign3A_75 : i1 to i32
      %sign3A_77 = arith.subi %sign3A_73, %sign3A_76 : i32
      %ne3A_78 = arith.cmpi ne, %sign3A_70, %sign3A_77 : i32
      %rem3A_79 = arith.remsi %add3A_42, %jit3A_62 : i32
      %ne3A_80 = arith.constant 0 : i32
      %ne3A_81 = arith.cmpi ne, %rem3A_79, %ne3A_80 : i32
      %and3A_82 = arith.andi %ne3A_78, %ne3A_81 : i1
      %sub3A_83 = arith.constant 1 : i32
      %sub3A_84 = arith.subi %div3A_63, %sub3A_83 : i32
      %select_n3A_85 = arith.select %and3A_82, %sub3A_84, %div3A_63 : i32
      %rem3A_86 = arith.constant 8 : i32
      %rem3A_87 = arith.remsi %add3A_42, %rem3A_86 : i32
      %mul3A_88 = arith.constant 64 : i32
      %mul3A_89 = arith.muli %rem3A_87, %mul3A_88 : i32
      %dma_wait3A = arith.constant 0 : i32
      %dma_wait3A_90 = arith.constant 0 : i32
      %dma_wait3A_91 = arith.constant 0 : i32
      %dma_wait3A_92 = tpu.memref_slice %arg6[%dma_wait3A, %dma_wait3A_90, %dma_wait3A_91] : memref<2x64x512xf32, #tpu.memory_space<vmem>> -> memref<1x64x512xf32, #tpu.memory_space<vmem>>
      %dma_wait3A_93 = tpu.memref_squeeze %dma_wait3A_92 : memref<1x64x512xf32, #tpu.memory_space<vmem>> -> memref<64x512xf32, #tpu.memory_space<vmem>>
      %dma_wait3A_94 = tpu.memref_slice %arg5[%select_n3A_85, %mul3A_89] : memref<50x512xi32, #tpu.memory_space<vmem>> -> memref<1x64xi32, #tpu.memory_space<vmem>>
      %dma_wait3A_95 = tpu.memref_squeeze %dma_wait3A_94 : memref<1x64xi32, #tpu.memory_space<vmem>> -> memref<64xi32, #tpu.memory_space<vmem>>
      %dma_wait3A_96 = arith.constant 0 : i32
      %dma_wait3A_97 = arith.constant 0 : i32
      %dma_wait3A_98 = tpu.memref_slice %arg2[%dma_wait3A_96, %dma_wait3A_97] : memref<10000x512xf32, #tpu.memory_space<hbm>> -> memref<10000x512xf32, #tpu.memory_space<hbm>>
      tpu.wait_indirect_dma semaphore(%arg7 : memref<!tpu.dma_semaphore, #tpu.memory_space<semaphore_mem>>) src(%dma_wait3A_98 : memref<10000x512xf32, #tpu.memory_space<hbm>>) dst(%dma_wait3A_93 : memref<64x512xf32, #tpu.memory_space<vmem>>)
      %mul3A_99 = arith.constant 64 : i32
      %mul3A_100 = arith.muli %rem3A_61, %mul3A_99 : i32
      %add3A_101 = arith.addi %mul3A_2, %mul3A_100 : i32
      %run_scoped3A = arith.constant 0 : i32
      "tpu.region"() ({
        %run_scoped3A_183 = tpu.sem_alloc : memref<!tpu.dma_semaphore, #tpu.memory_space<semaphore_mem>>
        %dma_start3A_184 = arith.constant 0 : i32
        %dma_start3A_185 = arith.constant 0 : i32
        %dma_start3A_186 = tpu.memref_slice %arg6[%run_scoped3A, %dma_start3A_184, %dma_start3A_185] : memref<2x64x512xf32, #tpu.memory_space<vmem>> -> memref<1x64x512xf32, #tpu.memory_space<vmem>>
        %dma_start3A_187 = tpu.memref_squeeze %dma_start3A_186 : memref<1x64x512xf32, #tpu.memory_space<vmem>> -> memref<64x512xf32, #tpu.memory_space<vmem>>
        %dma_start3A_188 = arith.constant 0 : i32
        %dma_start3A_189 = arith.constant 0 : i32
        %dma_start3A_190 = tpu.memref_slice %arg4[%select_n3A, %dma_start3A_188, %dma_start3A_189] : memref<50x16384x512xf32, #tpu.memory_space<hbm>> -> memref<1x16384x512xf32, #tpu.memory_space<hbm>>
        %dma_start3A_191 = tpu.memref_squeeze %dma_start3A_190 : memref<1x16384x512xf32, #tpu.memory_space<hbm>> -> memref<16384x512xf32, #tpu.memory_space<hbm>>
        %dma_start3A_192 = arith.constant 0 : i32
        %dma_start3A_193 = tpu.memref_slice %dma_start3A_191[%add3A_101, %dma_start3A_192] : memref<16384x512xf32, #tpu.memory_space<hbm>> -> memref<64x512xf32, #tpu.memory_space<hbm>>
        %dma_start3A_194 = arith.constant 0 : i32
        %dma_start3A_195 = arith.constant 0 : i32
        %dma_start3A_196 = tpu.memref_slice %arg4[%select_n3A, %dma_start3A_194, %dma_start3A_195] : memref<50x16384x512xf32, #tpu.memory_space<hbm>> -> memref<1x16384x512xf32, #tpu.memory_space<hbm>>
        %dma_start3A_197 = tpu.memref_squeeze %dma_start3A_196 : memref<1x16384x512xf32, #tpu.memory_space<hbm>> -> memref<16384x512xf32, #tpu.memory_space<hbm>>
        %dma_start3A_198 = arith.constant 0 : i32
        %dma_start3A_199 = tpu.memref_slice %dma_start3A_197[%add3A_101, %dma_start3A_198] : memref<16384x512xf32, #tpu.memory_space<hbm>> -> memref<64x512xf32, #tpu.memory_space<hbm>>
        %dma_start3A_200 = arith.constant 0 : i32
        %dma_start3A_201 = arith.constant 0 : i32
        %dma_start3A_202 = tpu.memref_slice %arg6[%run_scoped3A, %dma_start3A_200, %dma_start3A_201] : memref<2x64x512xf32, #tpu.memory_space<vmem>> -> memref<1x64x512xf32, #tpu.memory_space<vmem>>
        %dma_start3A_203 = tpu.memref_squeeze %dma_start3A_202 : memref<1x64x512xf32, #tpu.memory_space<vmem>> -> memref<64x512xf32, #tpu.memory_space<vmem>>
        tpu.enqueue_dma source(%dma_start3A_203 : memref<64x512xf32, #tpu.memory_space<vmem>>) target(%dma_start3A_199 : memref<64x512xf32, #tpu.memory_space<hbm>>) target_semaphore(%run_scoped3A_183 : memref<!tpu.dma_semaphore, #tpu.memory_space<semaphore_mem>>)
        %dma_wait3A_204 = arith.constant 0 : i32
        %dma_wait3A_205 = arith.constant 0 : i32
        %dma_wait3A_206 = tpu.memref_slice %arg6[%run_scoped3A, %dma_wait3A_204, %dma_wait3A_205] : memref<2x64x512xf32, #tpu.memory_space<vmem>> -> memref<1x64x512xf32, #tpu.memory_space<vmem>>
        %dma_wait3A_207 = tpu.memref_squeeze %dma_wait3A_206 : memref<1x64x512xf32, #tpu.memory_space<vmem>> -> memref<64x512xf32, #tpu.memory_space<vmem>>
        %dma_wait3A_208 = arith.constant 0 : i32
        %dma_wait3A_209 = arith.constant 0 : i32
        %dma_wait3A_210 = tpu.memref_slice %arg4[%select_n3A, %dma_wait3A_208, %dma_wait3A_209] : memref<50x16384x512xf32, #tpu.memory_space<hbm>> -> memref<1x16384x512xf32, #tpu.memory_space<hbm>>
        %dma_wait3A_211 = tpu.memref_squeeze %dma_wait3A_210 : memref<1x16384x512xf32, #tpu.memory_space<hbm>> -> memref<16384x512xf32, #tpu.memory_space<hbm>>
        %dma_wait3A_212 = arith.constant 0 : i32
        %dma_wait3A_213 = tpu.memref_slice %dma_wait3A_211[%add3A_101, %dma_wait3A_212] : memref<16384x512xf32, #tpu.memory_space<hbm>> -> memref<64x512xf32, #tpu.memory_space<hbm>>
        %dma_wait3A_214 = arith.constant 0 : i32
        %dma_wait3A_215 = arith.constant 0 : i32
        %dma_wait3A_216 = tpu.memref_slice %arg4[%select_n3A, %dma_wait3A_214, %dma_wait3A_215] : memref<50x16384x512xf32, #tpu.memory_space<hbm>> -> memref<1x16384x512xf32, #tpu.memory_space<hbm>>
        %dma_wait3A_217 = tpu.memref_squeeze %dma_wait3A_216 : memref<1x16384x512xf32, #tpu.memory_space<hbm>> -> memref<16384x512xf32, #tpu.memory_space<hbm>>
        %dma_wait3A_218 = arith.constant 0 : i32
        %dma_wait3A_219 = tpu.memref_slice %dma_wait3A_217[%add3A_101, %dma_wait3A_218] : memref<16384x512xf32, #tpu.memory_space<hbm>> -> memref<64x512xf32, #tpu.memory_space<hbm>>
        %dma_wait3A_220 = arith.constant 0 : i32
        %dma_wait3A_221 = arith.constant 0 : i32
        %dma_wait3A_222 = tpu.memref_slice %arg6[%run_scoped3A, %dma_wait3A_220, %dma_wait3A_221] : memref<2x64x512xf32, #tpu.memory_space<vmem>> -> memref<1x64x512xf32, #tpu.memory_space<vmem>>
        %dma_wait3A_223 = tpu.memref_squeeze %dma_wait3A_222 : memref<1x64x512xf32, #tpu.memory_space<vmem>> -> memref<64x512xf32, #tpu.memory_space<vmem>>
        tpu.wait_dma2 semaphore(%run_scoped3A_183 : memref<!tpu.dma_semaphore, #tpu.memory_space<semaphore_mem>>) src(%dma_wait3A_223 : memref<64x512xf32, #tpu.memory_space<vmem>>) dst(%dma_wait3A_219 : memref<64x512xf32, #tpu.memory_space<hbm>>)
        tpu.yield
      }) : () -> ()
      %add3A_102 = arith.constant 2 : i32
      %add3A_103 = arith.addi %add3A_42, %add3A_102 : i32
      %lt3A = arith.constant 400 : i32
      %lt3A_104 = arith.cmpi slt, %add3A_103, %lt3A : i32
      %convert_element_type3A = arith.extui %lt3A_104 : i1 to i32
      %cond3A = arith.constant 0 : i32
      %cond3A_105 = arith.cmpi ne, %convert_element_type3A, %cond3A : i32
      scf.if %cond3A_105 {
        %add3A_183 = arith.constant 2 : i32
        %add3A_184 = arith.addi %add3A_42, %add3A_183 : i32
        %jit3A_185 = arith.constant 8 : i32
        %div3A_186 = arith.divsi %add3A_184, %jit3A_185 : i32
        %sign3A_187 = arith.constant 0 : i32
        %sign3A_188 = arith.cmpi sgt, %add3A_184, %sign3A_187 : i32
        %sign3A_189 = arith.extui %sign3A_188 : i1 to i32
        %sign3A_190 = arith.constant 0 : i32
        %sign3A_191 = arith.cmpi slt, %add3A_184, %sign3A_190 : i32
        %sign3A_192 = arith.extui %sign3A_191 : i1 to i32
        %sign3A_193 = arith.subi %sign3A_189, %sign3A_192 : i32
        %sign3A_194 = arith.constant 0 : i32
        %sign3A_195 = arith.cmpi sgt, %jit3A_185, %sign3A_194 : i32
        %sign3A_196 = arith.extui %sign3A_195 : i1 to i32
        %sign3A_197 = arith.constant 0 : i32
        %sign3A_198 = arith.cmpi slt, %jit3A_185, %sign3A_197 : i32
        %sign3A_199 = arith.extui %sign3A_198 : i1 to i32
        %sign3A_200 = arith.subi %sign3A_196, %sign3A_199 : i32
        %ne3A_201 = arith.cmpi ne, %sign3A_193, %sign3A_200 : i32
        %rem3A_202 = arith.remsi %add3A_184, %jit3A_185 : i32
        %ne3A_203 = arith.constant 0 : i32
        %ne3A_204 = arith.cmpi ne, %rem3A_202, %ne3A_203 : i32
        %and3A_205 = arith.andi %ne3A_201, %ne3A_204 : i1
        %sub3A_206 = arith.constant 1 : i32
        %sub3A_207 = arith.subi %div3A_186, %sub3A_206 : i32
        %select_n3A_208 = arith.select %and3A_205, %sub3A_207, %div3A_186 : i32
        %rem3A_209 = arith.constant 8 : i32
        %rem3A_210 = arith.remsi %add3A_184, %rem3A_209 : i32
        %mul3A_211 = arith.constant 64 : i32
        %mul3A_212 = arith.muli %rem3A_210, %mul3A_211 : i32
        %dma_start3A_213 = arith.constant 0 : i32
        %dma_start3A_214 = arith.constant 0 : i32
        %dma_start3A_215 = arith.constant 0 : i32
        %dma_start3A_216 = tpu.memref_slice %arg6[%dma_start3A_213, %dma_start3A_214, %dma_start3A_215] : memref<2x64x512xf32, #tpu.memory_space<vmem>> -> memref<1x64x512xf32, #tpu.memory_space<vmem>>
        %dma_start3A_217 = tpu.memref_squeeze %dma_start3A_216 : memref<1x64x512xf32, #tpu.memory_space<vmem>> -> memref<64x512xf32, #tpu.memory_space<vmem>>
        %dma_start3A_218 = tpu.memref_slice %arg5[%select_n3A_208, %mul3A_212] : memref<50x512xi32, #tpu.memory_space<vmem>> -> memref<1x64xi32, #tpu.memory_space<vmem>>
        %dma_start3A_219 = tpu.memref_squeeze %dma_start3A_218 : memref<1x64xi32, #tpu.memory_space<vmem>> -> memref<64xi32, #tpu.memory_space<vmem>>
        %dma_start3A_220 = arith.constant 0 : i32
        %dma_start3A_221 = arith.constant 0 : i32
        %dma_start3A_222 = tpu.memref_slice %arg2[%dma_start3A_220, %dma_start3A_221] : memref<10000x512xf32, #tpu.memory_space<hbm>> -> memref<10000x512xf32, #tpu.memory_space<hbm>>
        tpu.enqueue_indirect_dma source(%dma_start3A_222 : memref<10000x512xf32, #tpu.memory_space<hbm>>) target(%dma_start3A_217 : memref<64x512xf32, #tpu.memory_space<vmem>>) offsets(%dma_start3A_219 : memref<64xi32, #tpu.memory_space<vmem>>) semaphore(%arg7 : memref<!tpu.dma_semaphore, #tpu.memory_space<semaphore_mem>>)
      } else {
      }
      %add3A_106 = arith.constant 1 : i32
      %add3A_107 = arith.addi %mul3A_40, %add3A_106 : i32
      %jit3A_108 = arith.constant 8 : i32
      %div3A_109 = arith.divsi %add3A_107, %jit3A_108 : i32
      %sign3A_110 = arith.constant 0 : i32
      %sign3A_111 = arith.cmpi sgt, %add3A_107, %sign3A_110 : i32
      %sign3A_112 = arith.extui %sign3A_111 : i1 to i32
      %sign3A_113 = arith.constant 0 : i32
      %sign3A_114 = arith.cmpi slt, %add3A_107, %sign3A_113 : i32
      %sign3A_115 = arith.extui %sign3A_114 : i1 to i32
      %sign3A_116 = arith.subi %sign3A_112, %sign3A_115 : i32
      %sign3A_117 = arith.constant 0 : i32
      %sign3A_118 = arith.cmpi sgt, %jit3A_108, %sign3A_117 : i32
      %sign3A_119 = arith.extui %sign3A_118 : i1 to i32
      %sign3A_120 = arith.constant 0 : i32
      %sign3A_121 = arith.cmpi slt, %jit3A_108, %sign3A_120 : i32
      %sign3A_122 = arith.extui %sign3A_121 : i1 to i32
      %sign3A_123 = arith.subi %sign3A_119, %sign3A_122 : i32
      %ne3A_124 = arith.cmpi ne, %sign3A_116, %sign3A_123 : i32
      %rem3A_125 = arith.remsi %add3A_107, %jit3A_108 : i32
      %ne3A_126 = arith.constant 0 : i32
      %ne3A_127 = arith.cmpi ne, %rem3A_125, %ne3A_126 : i32
      %and3A_128 = arith.andi %ne3A_124, %ne3A_127 : i1
      %sub3A_129 = arith.constant 1 : i32
      %sub3A_130 = arith.subi %div3A_109, %sub3A_129 : i32
      %select_n3A_131 = arith.select %and3A_128, %sub3A_130, %div3A_109 : i32
      %rem3A_132 = arith.constant 8 : i32
      %rem3A_133 = arith.remsi %add3A_107, %rem3A_132 : i32
      %jit3A_134 = arith.constant 8 : i32
      %div3A_135 = arith.divsi %add3A_107, %jit3A_134 : i32
      %sign3A_136 = arith.constant 0 : i32
      %sign3A_137 = arith.cmpi sgt, %add3A_107, %sign3A_136 : i32
      %sign3A_138 = arith.extui %sign3A_137 : i1 to i32
      %sign3A_139 = arith.constant 0 : i32
      %sign3A_140 = arith.cmpi slt, %add3A_107, %sign3A_139 : i32
      %sign3A_141 = arith.extui %sign3A_140 : i1 to i32
      %sign3A_142 = arith.subi %sign3A_138, %sign3A_141 : i32
      %sign3A_143 = arith.constant 0 : i32
      %sign3A_144 = arith.cmpi sgt, %jit3A_134, %sign3A_143 : i32
      %sign3A_145 = arith.extui %sign3A_144 : i1 to i32
      %sign3A_146 = arith.constant 0 : i32
      %sign3A_147 = arith.cmpi slt, %jit3A_134, %sign3A_146 : i32
      %sign3A_148 = arith.extui %sign3A_147 : i1 to i32
      %sign3A_149 = arith.subi %sign3A_145, %sign3A_148 : i32
      %ne3A_150 = arith.cmpi ne, %sign3A_142, %sign3A_149 : i32
      %rem3A_151 = arith.remsi %add3A_107, %jit3A_134 : i32
      %ne3A_152 = arith.constant 0 : i32
      %ne3A_153 = arith.cmpi ne, %rem3A_151, %ne3A_152 : i32
      %and3A_154 = arith.andi %ne3A_150, %ne3A_153 : i1
      %sub3A_155 = arith.constant 1 : i32
      %sub3A_156 = arith.subi %div3A_135, %sub3A_155 : i32
      %select_n3A_157 = arith.select %and3A_154, %sub3A_156, %div3A_135 : i32
      %rem3A_158 = arith.constant 8 : i32
      %rem3A_159 = arith.remsi %add3A_107, %rem3A_158 : i32
      %mul3A_160 = arith.constant 64 : i32
      %mul3A_161 = arith.muli %rem3A_159, %mul3A_160 : i32
      %dma_wait3A_162 = arith.constant 1 : i32
      %dma_wait3A_163 = arith.constant 0 : i32
      %dma_wait3A_164 = arith.constant 0 : i32
      %dma_wait3A_165 = tpu.memref_slice %arg6[%dma_wait3A_162, %dma_wait3A_163, %dma_wait3A_164] : memref<2x64x512xf32, #tpu.memory_space<vmem>> -> memref<1x64x512xf32, #tpu.memory_space<vmem>>
      %dma_wait3A_166 = tpu.memref_squeeze %dma_wait3A_165 : memref<1x64x512xf32, #tpu.memory_space<vmem>> -> memref<64x512xf32, #tpu.memory_space<vmem>>
      %dma_wait3A_167 = tpu.memref_slice %arg5[%select_n3A_157, %mul3A_161] : memref<50x512xi32, #tpu.memory_space<vmem>> -> memref<1x64xi32, #tpu.memory_space<vmem>>
      %dma_wait3A_168 = tpu.memref_squeeze %dma_wait3A_167 : memref<1x64xi32, #tpu.memory_space<vmem>> -> memref<64xi32, #tpu.memory_space<vmem>>
      %dma_wait3A_169 = arith.constant 0 : i32
      %dma_wait3A_170 = arith.constant 0 : i32
      %dma_wait3A_171 = tpu.memref_slice %arg2[%dma_wait3A_169, %dma_wait3A_170] : memref<10000x512xf32, #tpu.memory_space<hbm>> -> memref<10000x512xf32, #tpu.memory_space<hbm>>
      tpu.wait_indirect_dma semaphore(%arg8 : memref<!tpu.dma_semaphore, #tpu.memory_space<semaphore_mem>>) src(%dma_wait3A_171 : memref<10000x512xf32, #tpu.memory_space<hbm>>) dst(%dma_wait3A_166 : memref<64x512xf32, #tpu.memory_space<vmem>>)
      %mul3A_172 = arith.constant 64 : i32
      %mul3A_173 = arith.muli %rem3A_133, %mul3A_172 : i32
      %add3A_174 = arith.addi %mul3A_2, %mul3A_173 : i32
      %run_scoped3A_175 = arith.constant 1 : i32
      "tpu.region"() ({
        %run_scoped3A_183 = tpu.sem_alloc : memref<!tpu.dma_semaphore, #tpu.memory_space<semaphore_mem>>
        %dma_start3A_184 = arith.constant 0 : i32
        %dma_start3A_185 = arith.constant 0 : i32
        %dma_start3A_186 = tpu.memref_slice %arg6[%run_scoped3A_175, %dma_start3A_184, %dma_start3A_185] : memref<2x64x512xf32, #tpu.memory_space<vmem>> -> memref<1x64x512xf32, #tpu.memory_space<vmem>>
        %dma_start3A_187 = tpu.memref_squeeze %dma_start3A_186 : memref<1x64x512xf32, #tpu.memory_space<vmem>> -> memref<64x512xf32, #tpu.memory_space<vmem>>
        %dma_start3A_188 = arith.constant 0 : i32
        %dma_start3A_189 = arith.constant 0 : i32
        %dma_start3A_190 = tpu.memref_slice %arg4[%select_n3A_131, %dma_start3A_188, %dma_start3A_189] : memref<50x16384x512xf32, #tpu.memory_space<hbm>> -> memref<1x16384x512xf32, #tpu.memory_space<hbm>>
        %dma_start3A_191 = tpu.memref_squeeze %dma_start3A_190 : memref<1x16384x512xf32, #tpu.memory_space<hbm>> -> memref<16384x512xf32, #tpu.memory_space<hbm>>
        %dma_start3A_192 = arith.constant 0 : i32
        %dma_start3A_193 = tpu.memref_slice %dma_start3A_191[%add3A_174, %dma_start3A_192] : memref<16384x512xf32, #tpu.memory_space<hbm>> -> memref<64x512xf32, #tpu.memory_space<hbm>>
        %dma_start3A_194 = arith.constant 0 : i32
        %dma_start3A_195 = arith.constant 0 : i32
        %dma_start3A_196 = tpu.memref_slice %arg4[%select_n3A_131, %dma_start3A_194, %dma_start3A_195] : memref<50x16384x512xf32, #tpu.memory_space<hbm>> -> memref<1x16384x512xf32, #tpu.memory_space<hbm>>
        %dma_start3A_197 = tpu.memref_squeeze %dma_start3A_196 : memref<1x16384x512xf32, #tpu.memory_space<hbm>> -> memref<16384x512xf32, #tpu.memory_space<hbm>>
        %dma_start3A_198 = arith.constant 0 : i32
        %dma_start3A_199 = tpu.memref_slice %dma_start3A_197[%add3A_174, %dma_start3A_198] : memref<16384x512xf32, #tpu.memory_space<hbm>> -> memref<64x512xf32, #tpu.memory_space<hbm>>
        %dma_start3A_200 = arith.constant 0 : i32
        %dma_start3A_201 = arith.constant 0 : i32
        %dma_start3A_202 = tpu.memref_slice %arg6[%run_scoped3A_175, %dma_start3A_200, %dma_start3A_201] : memref<2x64x512xf32, #tpu.memory_space<vmem>> -> memref<1x64x512xf32, #tpu.memory_space<vmem>>
        %dma_start3A_203 = tpu.memref_squeeze %dma_start3A_202 : memref<1x64x512xf32, #tpu.memory_space<vmem>> -> memref<64x512xf32, #tpu.memory_space<vmem>>
        tpu.enqueue_dma source(%dma_start3A_203 : memref<64x512xf32, #tpu.memory_space<vmem>>) target(%dma_start3A_199 : memref<64x512xf32, #tpu.memory_space<hbm>>) target_semaphore(%run_scoped3A_183 : memref<!tpu.dma_semaphore, #tpu.memory_space<semaphore_mem>>)
        %dma_wait3A_204 = arith.constant 0 : i32
        %dma_wait3A_205 = arith.constant 0 : i32
        %dma_wait3A_206 = tpu.memref_slice %arg6[%run_scoped3A_175, %dma_wait3A_204, %dma_wait3A_205] : memref<2x64x512xf32, #tpu.memory_space<vmem>> -> memref<1x64x512xf32, #tpu.memory_space<vmem>>
        %dma_wait3A_207 = tpu.memref_squeeze %dma_wait3A_206 : memref<1x64x512xf32, #tpu.memory_space<vmem>> -> memref<64x512xf32, #tpu.memory_space<vmem>>
        %dma_wait3A_208 = arith.constant 0 : i32
        %dma_wait3A_209 = arith.constant 0 : i32
        %dma_wait3A_210 = tpu.memref_slice %arg4[%select_n3A_131, %dma_wait3A_208, %dma_wait3A_209] : memref<50x16384x512xf32, #tpu.memory_space<hbm>> -> memref<1x16384x512xf32, #tpu.memory_space<hbm>>
        %dma_wait3A_211 = tpu.memref_squeeze %dma_wait3A_210 : memref<1x16384x512xf32, #tpu.memory_space<hbm>> -> memref<16384x512xf32, #tpu.memory_space<hbm>>
        %dma_wait3A_212 = arith.constant 0 : i32
        %dma_wait3A_213 = tpu.memref_slice %dma_wait3A_211[%add3A_174, %dma_wait3A_212] : memref<16384x512xf32, #tpu.memory_space<hbm>> -> memref<64x512xf32, #tpu.memory_space<hbm>>
        %dma_wait3A_214 = arith.constant 0 : i32
        %dma_wait3A_215 = arith.constant 0 : i32
        %dma_wait3A_216 = tpu.memref_slice %arg4[%select_n3A_131, %dma_wait3A_214, %dma_wait3A_215] : memref<50x16384x512xf32, #tpu.memory_space<hbm>> -> memref<1x16384x512xf32, #tpu.memory_space<hbm>>
        %dma_wait3A_217 = tpu.memref_squeeze %dma_wait3A_216 : memref<1x16384x512xf32, #tpu.memory_space<hbm>> -> memref<16384x512xf32, #tpu.memory_space<hbm>>
        %dma_wait3A_218 = arith.constant 0 : i32
        %dma_wait3A_219 = tpu.memref_slice %dma_wait3A_217[%add3A_174, %dma_wait3A_218] : memref<16384x512xf32, #tpu.memory_space<hbm>> -> memref<64x512xf32, #tpu.memory_space<hbm>>
        %dma_wait3A_220 = arith.constant 0 : i32
        %dma_wait3A_221 = arith.constant 0 : i32
        %dma_wait3A_222 = tpu.memref_slice %arg6[%run_scoped3A_175, %dma_wait3A_220, %dma_wait3A_221] : memref<2x64x512xf32, #tpu.memory_space<vmem>> -> memref<1x64x512xf32, #tpu.memory_space<vmem>>
        %dma_wait3A_223 = tpu.memref_squeeze %dma_wait3A_222 : memref<1x64x512xf32, #tpu.memory_space<vmem>> -> memref<64x512xf32, #tpu.memory_space<vmem>>
        tpu.wait_dma2 semaphore(%run_scoped3A_183 : memref<!tpu.dma_semaphore, #tpu.memory_space<semaphore_mem>>) src(%dma_wait3A_223 : memref<64x512xf32, #tpu.memory_space<vmem>>) dst(%dma_wait3A_219 : memref<64x512xf32, #tpu.memory_space<hbm>>)
        tpu.yield
      }) : () -> ()
      %add3A_176 = arith.constant 2 : i32
      %add3A_177 = arith.addi %add3A_107, %add3A_176 : i32
      %lt3A_178 = arith.constant 400 : i32
      %lt3A_179 = arith.cmpi slt, %add3A_177, %lt3A_178 : i32
      %convert_element_type3A_180 = arith.extui %lt3A_179 : i1 to i32
      %cond3A_181 = arith.constant 0 : i32
      %cond3A_182 = arith.cmpi ne, %convert_element_type3A_180, %cond3A_181 : i32
      scf.if %cond3A_182 {
        %add3A_183 = arith.constant 2 : i32
        %add3A_184 = arith.addi %add3A_107, %add3A_183 : i32
        %jit3A_185 = arith.constant 8 : i32
        %div3A_186 = arith.divsi %add3A_184, %jit3A_185 : i32
        %sign3A_187 = arith.constant 0 : i32
        %sign3A_188 = arith.cmpi sgt, %add3A_184, %sign3A_187 : i32
        %sign3A_189 = arith.extui %sign3A_188 : i1 to i32
        %sign3A_190 = arith.constant 0 : i32
        %sign3A_191 = arith.cmpi slt, %add3A_184, %sign3A_190 : i32
        %sign3A_192 = arith.extui %sign3A_191 : i1 to i32
        %sign3A_193 = arith.subi %sign3A_189, %sign3A_192 : i32
        %sign3A_194 = arith.constant 0 : i32
        %sign3A_195 = arith.cmpi sgt, %jit3A_185, %sign3A_194 : i32
        %sign3A_196 = arith.extui %sign3A_195 : i1 to i32
        %sign3A_197 = arith.constant 0 : i32
        %sign3A_198 = arith.cmpi slt, %jit3A_185, %sign3A_197 : i32
        %sign3A_199 = arith.extui %sign3A_198 : i1 to i32
        %sign3A_200 = arith.subi %sign3A_196, %sign3A_199 : i32
        %ne3A_201 = arith.cmpi ne, %sign3A_193, %sign3A_200 : i32
        %rem3A_202 = arith.remsi %add3A_184, %jit3A_185 : i32
        %ne3A_203 = arith.constant 0 : i32
        %ne3A_204 = arith.cmpi ne, %rem3A_202, %ne3A_203 : i32
        %and3A_205 = arith.andi %ne3A_201, %ne3A_204 : i1
        %sub3A_206 = arith.constant 1 : i32
        %sub3A_207 = arith.subi %div3A_186, %sub3A_206 : i32
        %select_n3A_208 = arith.select %and3A_205, %sub3A_207, %div3A_186 : i32
        %rem3A_209 = arith.constant 8 : i32
        %rem3A_210 = arith.remsi %add3A_184, %rem3A_209 : i32
        %mul3A_211 = arith.constant 64 : i32
        %mul3A_212 = arith.muli %rem3A_210, %mul3A_211 : i32
        %dma_start3A_213 = arith.constant 1 : i32
        %dma_start3A_214 = arith.constant 0 : i32
        %dma_start3A_215 = arith.constant 0 : i32
        %dma_start3A_216 = tpu.memref_slice %arg6[%dma_start3A_213, %dma_start3A_214, %dma_start3A_215] : memref<2x64x512xf32, #tpu.memory_space<vmem>> -> memref<1x64x512xf32, #tpu.memory_space<vmem>>
        %dma_start3A_217 = tpu.memref_squeeze %dma_start3A_216 : memref<1x64x512xf32, #tpu.memory_space<vmem>> -> memref<64x512xf32, #tpu.memory_space<vmem>>
        %dma_start3A_218 = tpu.memref_slice %arg5[%select_n3A_208, %mul3A_212] : memref<50x512xi32, #tpu.memory_space<vmem>> -> memref<1x64xi32, #tpu.memory_space<vmem>>
        %dma_start3A_219 = tpu.memref_squeeze %dma_start3A_218 : memref<1x64xi32, #tpu.memory_space<vmem>> -> memref<64xi32, #tpu.memory_space<vmem>>
        %dma_start3A_220 = arith.constant 0 : i32
        %dma_start3A_221 = arith.constant 0 : i32
        %dma_start3A_222 = tpu.memref_slice %arg2[%dma_start3A_220, %dma_start3A_221] : memref<10000x512xf32, #tpu.memory_space<hbm>> -> memref<10000x512xf32, #tpu.memory_space<hbm>>
        tpu.enqueue_indirect_dma source(%dma_start3A_222 : memref<10000x512xf32, #tpu.memory_space<hbm>>) target(%dma_start3A_217 : memref<64x512xf32, #tpu.memory_space<vmem>>) offsets(%dma_start3A_219 : memref<64xi32, #tpu.memory_space<vmem>>) semaphore(%arg8 : memref<!tpu.dma_semaphore, #tpu.memory_space<semaphore_mem>>)
      } else {
      }
    }
    %scan3A_37 = arith.constant 200 : i32
    return
  }
}

module attributes {stable_mosaic.version = 14 : i64} {
  func.func @_proj_body(%arg0: i32, %arg1: memref<1000x256xf32, #tpu.memory_space<vmem>>, %arg2: memref<256x512xf32, #tpu.memory_space<vmem>>, %arg3: memref<1x512xf32, #tpu.memory_space<vmem>>, %arg4: memref<1000x512xf32, #tpu.memory_space<vmem>>) attributes {dimension_semantics = [#tpu.dimension_semantics<arbitrary>], iteration_bounds = array<i64: 10>, scalar_prefetch = 0 : i64, scratch_operands = 0 : i64, tpu.core_type = #tpu.core_type<tc>, window_params = [{transform_indices = @transform_0, window_bounds = array<i64: 1000, 256>}, {pipeline_mode = #tpu.pipeline_mode<synchronous>, transform_indices = @transform_1, window_bounds = array<i64: 256, 512>}, {pipeline_mode = #tpu.pipeline_mode<synchronous>, transform_indices = @transform_2, window_bounds = array<i64: 1, 512>}, {transform_indices = @transform_3, window_bounds = array<i64: 1000, 512>}]} {
    %get3A = arith.constant 0 : index
    %get3A_0 = arith.constant 0 : index
    %get3A_1 = vector.load %arg1[%get3A, %get3A_0] : memref<1000x256xf32, #tpu.memory_space<vmem>>, vector<1000x256xf32>
    %get3A_2 = arith.constant 0 : index
    %get3A_3 = arith.constant 0 : index
    %get3A_4 = vector.load %arg2[%get3A_2, %get3A_3] : memref<256x512xf32, #tpu.memory_space<vmem>>, vector<256x512xf32>
    %dot_general3A = arith.constant dense<0.000000e+00> : vector<1000x512xf32>
    %dot_general3A_5 = tpu.matmul %get3A_1, %get3A_4, %dot_general3A {dimension_numbers = #tpu.dot_dimension_numbers<[1], [0], [0], [1], [0, 0, 1, 1], [], []>, transpose_lhs_hint = false} : vector<1000x256xf32>, vector<256x512xf32>, vector<1000x512xf32> -> vector<1000x512xf32>
    %get3A_6 = arith.constant 0 : index
    %get3A_7 = arith.constant 0 : index
    %get3A_8 = vector.load %arg3[%get3A_6, %get3A_7] : memref<1x512xf32, #tpu.memory_space<vmem>>, vector<1x512xf32>
    %add3A = vector.broadcast %get3A_8 : vector<1x512xf32> to vector<1000x512xf32>
    %add3A_9 = arith.addf %dot_general3A_5, %add3A : vector<1000x512xf32>
    %max3A = arith.constant 0.000000e+00 : f32
    %max3A_10 = vector.broadcast %max3A : f32 to vector<1000x512xf32>
    %max3A_11 = arith.maximumf %add3A_9, %max3A_10 : vector<1000x512xf32>
    %swap3A = arith.constant 0 : index
    %swap3A_12 = arith.constant 0 : index
    %swap3A_13 = vector.load %arg4[%swap3A, %swap3A_12] : memref<1000x512xf32, #tpu.memory_space<vmem>>, vector<1000x512xf32>
    tpu.vector_store %arg4[%swap3A, %swap3A_12], %max3A_11 {strides = array<i32>} : memref<1000x512xf32, #tpu.memory_space<vmem>>, vector<1000x512xf32>,
    return
  }
  func.func @transform_0(%arg0: i32) -> (i32, i32) {
    %c0_i32 = arith.constant 0 : i32
    %c0_i32_0 = arith.constant 0 : i32
    return %arg0, %c0_i32 : i32, i32
  }
  func.func @transform_1(%arg0: i32) -> (i32, i32) {
    %c0_i32 = arith.constant 0 : i32
    %c0_i32_0 = arith.constant 0 : i32
    %c0_i32_1 = arith.constant 0 : i32
    return %c0_i32, %c0_i32_0 : i32, i32
  }
  func.func @transform_2(%arg0: i32) -> (i32, i32) {
    %c0_i32 = arith.constant 0 : i32
    %c0_i32_0 = arith.constant 0 : i32
    %c0_i32_1 = arith.constant 0 : i32
    return %c0_i32, %c0_i32_0 : i32, i32
  }
  func.func @transform_3(%arg0: i32) -> (i32, i32) {
    %c0_i32 = arith.constant 0 : i32
    %c0_i32_0 = arith.constant 0 : i32
    return %arg0, %c0_i32 : i32, i32
  }
}

</mosaic_0001>

<sc_bundles>
// kernel: kernel.4.cloned.1.call-start
scs
__scs_entry_jumppad:
0x0: {  	(pc) =	sbr.rel $0x88, $3  }
0x1: {  	(tag) =	ssettag $0x0;
	lr =	simm.s32 $0x1  }
0x2: {  	[smem:$0x3F9D] =	sst lr;
	_ =	strace $0xD0000000  }
0x3: {  	_ = 	snop  }
0x4: {  	_ = 	snop  }
0x5: {  	_ = 	snop  }
0x6: {  	_ = 	snop  }
0x7: {  	_ = 	snop  }
__scs_overlays_trampoline_lowered:
0x8: {  	[smem:$0x3FAC] =	sst s0  }
0x9: {  	[smem:$0x3FAD] =	sst s1  }
0xa: {  	[smem:$0x3FAE] =	sst s2  }
0xb: {  	[smem:$0x3FAF] =	sst s3  }
0xc: {  	[smem:$0x3FB0] =	sst s4  }
0xd: {  	[smem:$0x3FB1] =	sst s5  }
0xe: {  	[smem:$0x3FB2] =	sst s6  }
0xf: {  	[smem:$0x3FB3] =	sst s7  }
0x10: {  	[smem:$0x3FB4] =	sst s8  }
0x11: {  	[smem:$0x3FB5] =	sst s9;
	s0 =	simm.s32 @!p0 $0x0  }
0x12: {  	s1 =	sld [smem:$0x3F9B];
	s0 =	simm.s32 @p0 $0x1  }
0x13: {  	[smem:$0x3FB6] =	sst s0;
	s0 =	simm.s32 @!p1 $0x0  }
0x14: {  	s2 =	sld [smem:$0x3F9A];
	s0 =	simm.s32 @p1 $0x1  }
0x15: {  	[smem:$0x3FB7] =	sst s0;
	s0 =	simm.s32 @!p2 $0x0  }
0x16: {  	s3 =	sld [smem:$0x3FDB];
	s0 =	simm.s32 @p2 $0x1  }
0x17: {  	s4 =	simm.s32 $0x1BF5;
	[smem:$0x3FB9] =	sst s0  }
0x18: {  	s0 =	sld [smem:$0x3F9C];
	_ =	swait.ge [sflag:s4], $0x0  }
0x19: {  	s7 =	sld [smem:$0x3F9D]  }
0x1a: {  	s8 =	sadd.s32 $0xFFFFE003, lr  }
0x1b: {  	s9 =	sadd.s32 $0xFFFFFEF7, lr;
	s5 =	simm.s32 $0xFFFFFFFF;
	p2 =	slt.u32 s8, $0xFFFFF086  }
0x1c: {  	p1 =	slt.u32 s9, $0xF7A;
	s5 =	simm.s32 @!p2 $0x0  }
0x1d: {  	s5 =	simm.s32 @p1 $0x1;
	p0 =	seq.s32 s7, s2  }
0x1e: {  	s7 =	smul.u32 @!p0 $0xF7A, s2;
	p2 =	seq.s32 @!p0 s5, $0x0  }
0x1f: {  	s9 =	smul.u32 $0xF7A, s1;
	s8 =	simm.s32 @!p0 $0x1BF5;
	p2 =	por !p2, p0  }
0x20: {  	[sflag:s8] =	ssyncset.s32 @!p0 $0xFFFFF086;
	s6 =	sadd.s32 @!p0 s3, s7;
	s7 =	simm.s32 @!p0 $0x108  }
0x21: {  	s3 =	sadd.s32 s3, s9;
	s6 =	sadd.s32 @!p0 $0x88, s6;
	s7 =	simm.s32 @p2 $0x1082  }
0x22: {  	[simem:s7], [sflag:s8] =	dma.local @!p0 [hbm:s6], $0xF7A  }
0x23: {  	s9 =	sor.u32 $0xD0000000, s2;
	s6 =	simm.s32 $0x108;
	_ =	swait.ge @!p0 [sflag:s8], $0x0  }
0x24: {  	s3 =	sadd.s32 $0x88, s3;
	s6 =	simm.s32 @!p1 $0x1082;
	[sflag:s4] =	ssyncset.s32 $0xFFFFF086  }
0x25: {  	[simem:s6], [sflag:s4] =	dma.local [hbm:s3], $0xF7A  }
0x26: {  	[smem:$0x3F9D] =	sst s1;
	(tag) =	ssettag s2;
	_ =	strace s9  }
0x27: {  	s1 =	sld [smem:$0x3FAD]  }
0x28: {  	s2 =	sld [smem:$0x3FAE]  }
0x29: {  	s4 =	sld [smem:$0x3FB0]  }
0x2a: {  	p0 =	seq.s32 s5, $0x0;
	s5 =	sld [smem:$0x3FB1]  }
0x2b: {  	s6 =	sld [smem:$0x3FB2]  }
0x2c: {  	s7 =	sld [smem:$0x3FB3]  }
0x2d: {  	s3 =	simm.s32 $0x108;
	s8 =	sld [smem:$0x3FB4]  }
0x2e: {  	s3 =	simm.s32 @!p0 $0x1082;
	s9 =	sld [smem:$0x3FB5]  }
0x2f: {  	lr =	sadd.s32 s0, s3;
	s0 =	sld [smem:$0x3FAC]  }
0x30: {  	s3 =	sld [smem:$0x3FAF]  }
0x31: {  	[smem:$0x3FB8] =	sst s10  }
0x32: {  	s10 =	sld [smem:$0x3FB6];
	_ =	sdelay $0x3  }
0x33: {  	p0 =	seq.s32 s10, $0x1;
	s10 =	sld [smem:$0x3FB8];
	_ =	sdelay $0x3  }
0x34: {  	[smem:$0x3FB8] =	sst s10  }
0x35: {  	s10 =	sld [smem:$0x3FB7];
	_ =	sdelay $0x3  }
0x36: {  	p1 =	seq.s32 s10, $0x1;
	s10 =	sld [smem:$0x3FB8];
	_ =	sdelay $0x3  }
0x37: {  	[smem:$0x3FB8] =	sst s10  }
0x38: {  	s10 =	sld [smem:$0x3FB9]  }
0x39: {  	_ = 	snop;
	(pc) =	sbr.ind lr, $3  }
0x3a: {  	_ = 	snop  }
0x3b: {  	_ = 	snop  }
0x3c: {  	p2 =	seq.s32 s10, $0x1;
	s10 =	sld [smem:$0x3FB8]  }
0x3d: {  	_ =	shalt  }
0x3e: {  	_ =	shalt  }
0x3f: {  	_ =	shalt  }
0x40: {  	_ =	shalt  }
0x41: {  	_ =	shalt  }
0x42: {  	_ =	shalt  }
0x43: {  	_ =	shalt  }
0x44: {  	_ =	shalt  }
0x45: {  	_ =	shalt  }
0x46: {  	_ =	shalt  }
0x47: {  	_ =	shalt  }
0x48: {  	_ =	shalt  }
0x49: {  	_ =	shalt  }
0x4a: {  	_ =	shalt  }
0x4b: {  	_ =	shalt  }
0x4c: {  	_ =	shalt  }
0x4d: {  	_ =	shalt  }
0x4e: {  	_ =	shalt  }
0x4f: {  	_ =	shalt  }
0x50: {  	_ =	shalt  }
0x51: {  	_ =	shalt  }
0x52: {  	_ =	shalt  }
0x53: {  	_ =	shalt  }
0x54: {  	_ =	shalt  }
0x55: {  	_ =	shalt  }
0x56: {  	_ =	shalt  }
0x57: {  	_ =	shalt  }
0x58: {  	_ =	shalt  }
0x59: {  	_ =	shalt  }
0x5a: {  	_ =	shalt  }
0x5b: {  	_ =	shalt  }
0x5c: {  	_ =	shalt  }
0x5d: {  	_ =	shalt  }
0x5e: {  	_ =	shalt  }
0x5f: {  	_ =	shalt  }
0x60: {  	_ =	shalt  }
0x61: {  	_ =	shalt  }
0x62: {  	_ =	shalt  }
0x63: {  	_ =	shalt  }
0x64: {  	_ =	shalt  }
0x65: {  	_ =	shalt  }
0x66: {  	_ =	shalt  }
0x67: {  	_ =	shalt  }
0x68: {  	_ =	shalt  }
0x69: {  	_ =	shalt  }
0x6a: {  	_ =	shalt  }
0x6b: {  	_ =	shalt  }
0x6c: {  	_ =	shalt  }
0x6d: {  	_ =	shalt  }
0x6e: {  	_ =	shalt  }
0x6f: {  	_ =	shalt  }
0x70: {  	_ =	shalt  }
0x71: {  	_ =	shalt  }
0x72: {  	_ =	shalt  }
0x73: {  	_ =	shalt  }
0x74: {  	_ =	shalt  }
0x75: {  	_ =	shalt  }
0x76: {  	_ =	shalt  }
0x77: {  	_ =	shalt  }
0x78: {  	_ =	shalt  }
0x79: {  	_ =	shalt  }
0x7a: {  	_ =	shalt  }
0x7b: {  	_ =	shalt  }
0x7c: {  	_ =	shalt  }
0x7d: {  	_ =	shalt  }
0x7e: {  	_ =	shalt  }
0x7f: {  	_ =	shalt  }
0x80: {  	_ =	shalt  }
0x81: {  	_ =	shalt  }
0x82: {  	_ =	shalt  }
0x83: {  	_ =	shalt  }
0x84: {  	_ =	shalt  }
0x85: {  	_ =	shalt  }
0x86: {  	_ =	shalt  }
0x87: {  	_ =	shalt  }
.Lfunc_end0:
.L_simem_size_0:
called_computation_lowered:
.L_overlay_start_0:
0x88: {  	s2 =	sld [smem:$0x3FD9]  }
0x89: {  	s3 =	sld [smem:$0x3FFE];
	_ =	sdelay $0x1  }
0x8a: {  	s1 =	srdreg.scid  }
0x8b: {  	s0 =	sand.u32 $0x1, s1  }
0x8c: {  	s17 =	sshll.u32 s0, $0xA;
	s2 =	sadd.s32 s3, s2  }
0x8d: {  	s2 =	sadd.s32 s2, s17  }
0x8e: {  	[smem:$0x3FC4] =	sst s2  }
0x8f: {  	_ = 	snop  }
0x90: {  	s2 =	sld [smem:$0x3FC9]  }
0x91: {  	s18 =	sld [smem:$0x3FD0];
	(tm) =	ssettm $0x1  }
0x92: {  	s4 =	sld [smem:$0x3FFB];
	_ =	sdelay $0x3  }
0x93: {  	_ =	strace s4  }
0x94: {  	s4 =	sld [smem:$0x3FFC];
	_ =	sdelay $0x3  }
0x95: {  	_ =	strace s4  }
0x96: {  	s4 =	sld [smem:$0x3FFD];
	_ =	sdelay $0x3  }
0x97: {  	_ =	strace s4  }
0x98: {  	_ =	strace $0x8FFFFFFF  }
0x99: {  	s19 =	sld [smem:$0x3FDB];
	_ =	sdelay $0x1  }
0x9a: {  	s5 =	simm.s32 $_scs_section_size  }
0x9b: {  	s6 =	simm.s32 $_size__tile_overlayer_lowered;
	s7 =	simm.s32 $_tile_overlayer_lowered  }
0x9c: {  	s22 =	simm.s32 $0x1BFF;
	s21 =	sshll.u32 s7, $0x1;
	s4 =	sadd.s32 s5, s19  }
0x9d: {  	s8 =	simm.s32 $0x0;
	s20 =	sshll.u32 s6, $0x1;
	s6 =	sadd.s32 s21, s4  }
0x9e: {  	[timem:s8], [sflag:s22] =	dma.local [hbm:s6], s20  }
0x9f: {  	_ =	swait.ge [sflag:s22], s20  }
0xa0: {  	s5 =	ssub.s32 $0x0, s20;
	[sflag:s22] =	ssyncset.done $0x0  }
0xa1: {  	[sflag:s22] =	ssyncadd.s32 s5;
	_ =	sdelay $0x1  }
0xa2: {  	s23 =	simm.s32 $0x1B8B  }
0xa3: {  	_ =	swait.ge [sflag:s23], $0x1  }
0xa4: {  	[sflag:s23] =	ssyncset.done $0x0  }
0xa5: {  	s25 =	simm.s32 $0x1B8E;
	s24 =	sld [smem:$0x3FFE];
	[sflag:s23] =	ssyncadd.s32 $0xFFFFFFFF  }
0xa6: {  	s26 =	simm.s32 $execute0_lowered;
	[smem:$0x3FD2] =	sst s25  }
0xa7: {  	s6 =	sshll.u32 s26, $0x1;
	_ =	strace $0x80000046;
	[dreg:$0x1] =	wrdreg $0xFFFFFFFF  }
0xa8: {  	s28 =	simm.s32 $_size_execute0_lowered;
	s4 =	sadd.s32 s4, s6;
	[dreg:$0x0] =	wrdreg $0x0  }
0xa9: {  	s6 =	sshll.u32 s28, $0x1;
	[dreg:$0x2] =	wrdreg s4  }
0xaa: {  	[dreg:$0x3] =	wrdreg s6  }
0xab: {  	[dreg:$0x4] =	wrdreg $0xC0  }
0xac: {  	_ =	task [dreg:s8], $0x5FFFF  }
0xad: {  	[dreg:$0x1] =	wrdreg $0xFFFFFFFF  }
0xae: {  	[dreg:$0x0] =	wrdreg $0x60  }
0xaf: {  	[dreg:$0x2] =	wrdreg s24  }
0xb0: {  	[dreg:$0x3] =	wrdreg s2  }
0xb1: {  	[dreg:$0x4] =	wrdreg s18  }
0xb2: {  	[dreg:$0x5] =	wrdreg $0x9  }
0xb3: {  	_ =	task.clear_ibuf [dreg:s8], $0x6FFFF;
	_ =	strace $0x90000046  }
0xb4: {  	s29 =	simm.s32 $0x9;
	_ =	strace $0x80000048  }
0xb5: {  	_ =	swait.ge [sflag:s29], $0x1  }
0xb6: {  	[sflag:s29] =	ssyncadd.s32 $0xFFFFFFFF  }
0xb7: {  	_ =	strace $0x90000048  }
0xb8: {  	_ =	sfence  }
0xb9: {  	s30 =	sld [smem:$0x0];
	_ =	sdelay $0x2  }
0xba: {  	s31 =	sshll.u32 s1, $0xD;
	s1 =	sshrl.u32 s1, $0x2  }
0xbb: {  	s3 =	sand.u32 $0x4000, s31;
	s1 =	sadd.s32 s1, s30  }
0xbc: {  	s0 =	sor.u32 s3, s0;
	s1 =	sshll.u32 s1, $0x11  }
0xbd: {  	s0 =	sor.u32 s1, s0  }
0xbe: {  	s0 =	sadd.s32 $0x8F2B, s0  }
0xbf: {  	[sflag:s0] =	ssyncadd.remote.s32 $0x1  }
0xc0: {  	_ =	sfence.sel $0xFFFF  }
0xc1: {  	[dreg:$0x0] =	wrdreg $0xFFFFFFFF;
	(pc) =	sbr.abs _section_cstart, $3  }
0xc2: {  	[dreg:$0x1] =	wrdreg $0xFFFFFFFF  }
0xc3: {  	_ =	task.clear_ibuf [dreg:s8], $0x2FFFF;
	_ =	strace $0x9FFFFFFF  }
0xc4: {  	(tm) =	ssettm $0x7FFFFFFF  }
0xc5: {  	_ =	shalt  }
tec
execute0_lowered:
.L_overlay_start_1:
0x0: {  	(tag) =	ssettag $0x1  }
0x1: {  	s0 =	rddreg [dreg:$0x0]  }
0x2: {  	s3 =	rddreg [dreg:$0x1]  }
0x3: {  	s29 =	rddreg [dreg:$0x2];
	s2 =	simm.s32 $0x0  }
0x4: {  	s4 =	srdreg.scid;
	s1 =	stileid.u32;
	s11 =	simm.s32 $0x7000  }
0x5: {  	s28 =	simm.s32 $0xF000;
	s30 =	simm.s32 $0xF800;
	s31 =	simm.s32 $0x10800  }
0x6: {  	s9 =	simm.s32 $0x12000;
	s10 =	simm.s32 $0x12800;
	s12 =	simm.s32 $0x14000  }
0x7: {  	s13 =	simm.s32 $0x14800;
	s14 =	simm.s32 $0x15000;
	s15 =	simm.s32 $0x15800  }
0x8: {  	s16 =	simm.s32 $0x16000;
	s17 =	simm.s32 $0x16800;
	s18 =	simm.s32 $0x1  }
0x9: {  	s19 =	simm.s32 $0x3;
	s20 =	simm.s32 $0x2;
	s21 =	simm.s32 $0x0  }
0xa: {  	[smem:$0x7FF] =	sst s2;
	s4 =	sand.u32 $0x1, s4;
	s7 =	sshll.u32 s1, $0xA  }
0xb: {  	_ =	strace $0x80000047;
	s5 =	ssub.s32 $0x2, s4;
	s8 =	sshll.u32 s4, $0x9  }
.Ltmp0:
0xc: {  	s4 =	sadd.s32 $0xA00, s0;
	s6 =	sshrl.u32 s5, $0x1;
	(pc) =	sbr.rel .LBB2_1-.Ltmp0, $4  }
0xd: {  	s7 =	sor.u32 s8, s7;
	s8 =	simm.s32 $0x13800;
	s5 =	ssub.s32 s5, s6  }
0xe: {  	v2 =	vlaneseq.u32;
	s25 =	sadd.s32 s3, s7;
	s6 =	sadd.s32 $0xB00, s0;
	s7 =	sshll.u32 s7, $0x6  }
0xf: {  	vm0 =	vmmov $0xffff;
	v1 =	vshrl.u32 v2, $0x3;
	s0 =	simm.s32 $0x11000;
	[dreg:$0x4] =	wrdreg s25;
	s26 =	smax.u32 s5, $0x1  }
0x10: {  	v0 =	vand.u32 $0x7, v2;
	v2 =	vor.u32 $0x8, v2;
	v1 =	vmul.u32 $0x8, v1;
	s3 =	simm.s32 $0x11800;
	s5 =	simm.s32 $0x13000;
	[dreg:$0x5] =	wrdreg s26  }
.LBB2_6:
0x11: {  	s21 =	rddreg [dreg:$0x6]  }
0x12: {  	s1 =	rddreg [dreg:$0x5];
	s21 =	sadd.s32 $0x1, s21  }
0x13: {  	p0 =	sne.s32 s21, s1  }
.Ltmp1:
0x14: {  	_ = 	snop;
	(pc) =	sbr.rel @!p0 .LBB2_7-.Ltmp1, $1  }
0x15: {  	_ =	sdelay $0x3  }
.LBB2_1:
0x16: {  	[dreg:$0x6] =	wrdreg s21  }
0x17: {  	s1 =	rddreg [dreg:$0x4];
	s26 =	simm.s32 $0x1000;
	s22 =	simm.s32 $0x20000  }
0x18: {  	[tilespmem:s2], [sflag:$0x3] =	stream.strided.gather [hbm4b:s1+s26], $0x7000, s22, s26, $0x38;
	[tilespmem:$0x17000] =	vst v63  }
0x19: {  	_ =	swait.ge [sflag:s19], $0x7000  }
0x1a: {  	[sflag:s19] =	ssyncset.done $0x0  }
0x1b: {  	[sflag:s19] =	ssyncadd.s32 $0xFFFF9000  }
0x1c: {  	v3 =	vld [tilespmem:$0x0];
	_ =	sdelay $0x4  }
0x1d: {  	v4 =	vshll.u32 v3, $0x2  }
0x1e: {  	v3 =	vand.u32 $0x7, v3;
	v4 =	vand.u32 $0xFFFFFFE0, v4  }
0x1f: {  	v3 =	vor.u32 v3, v4  }
0x20: {  	v4 =	vperm.xlane v3, v0;
	_ =	sdelay $0x1  }
0x21: {  	v4 =	vadd.s32 v1, v4;
	_ =	sdelay $0x1  }
0x22: {  	v3 =	vperm.xlane v3, v2;
	_ =	sdelay $0x1  }
0x23: {  	v3 =	vadd.s32 v1, v3  }
0x24: {  	[tilespmem:s11], [sflag:$0x1] =	stream.indirect_vreg.gather [hbm4b:s4+s2], $0x80, v4, vm0, $0xb8;
	[tilespmem:$0x17000] =	vst v63  }
0x25: {  	s23 =	simm.s32 $0x7800  }
0x26: {  	[tilespmem:s23], [sflag:$0x1] =	stream.indirect_vreg.gather [hbm4b:s6+s2], $0x80, v4, vm0, $0xb8;
	[tilespmem:$0x17000] =	vst v63  }
0x27: {  	s24 =	simm.s32 $0x8000  }
0x28: {  	[tilespmem:s24], [sflag:$0x1] =	stream.indirect_vreg.gather [hbm4b:s4+s2], $0x80, v3, vm0, $0xb8;
	[tilespmem:$0x17000] =	vst v63  }
0x29: {  	s25 =	simm.s32 $0x8800  }
0x2a: {  	[tilespmem:s25], [sflag:$0x1] =	stream.indirect_vreg.gather [hbm4b:s6+s2], $0x80, v3, vm0, $0xb8;
	[tilespmem:$0x17000] =	vst v63  }
0x2b: {  	v3 =	vld [tilespmem:$0x10];
	_ =	sdelay $0x4  }
0x2c: {  	v57 =	vshll.u32 v3, $0x2  }
0x2d: {  	v3 =	vand.u32 $0x7, v3;
	v4 =	vand.u32 $0xFFFFFFE0, v57  }
0x2e: {  	v3 =	vor.u32 v3, v4  }
0x2f: {  	v4 =	vperm.xlane v3, v0;
	_ =	sdelay $0x1  }
0x30: {  	v4 =	vadd.s32 v1, v4;
	_ =	sdelay $0x1  }
0x31: {  	v3 =	vperm.xlane v3, v2;
	_ =	sdelay $0x1  }
0x32: {  	s26 =	simm.s32 $0x9000;
	v3 =	vadd.s32 v1, v3  }
0x33: {  	[tilespmem:s26], [sflag:$0x1] =	stream.indirect_vreg.gather [hbm4b:s4+s2], $0x80, v4, vm0, $0xb8;
	[tilespmem:$0x17000] =	vst v63  }
0x34: {  	s21 =	simm.s32 $0x9800  }
0x35: {  	[tilespmem:s21], [sflag:$0x1] =	stream.indirect_vreg.gather [hbm4b:s6+s2], $0x80, v4, vm0, $0xb8;
	[tilespmem:$0x17000] =	vst v63  }
0x36: {  	s22 =	simm.s32 $0xA000  }
0x37: {  	[tilespmem:s22], [sflag:$0x1] =	stream.indirect_vreg.gather [hbm4b:s4+s2], $0x80, v3, vm0, $0xb8;
	[tilespmem:$0x17000] =	vst v63  }
0x38: {  	s23 =	simm.s32 $0xA800  }
0x39: {  	[tilespmem:s23], [sflag:$0x1] =	stream.indirect_vreg.gather [hbm4b:s6+s2], $0x80, v3, vm0, $0xb8;
	[tilespmem:$0x17000] =	vst v63  }
0x3a: {  	v3 =	vld [tilespmem:$0x20];
	_ =	sdelay $0x4  }
0x3b: {  	v58 =	vshll.u32 v3, $0x2  }
0x3c: {  	v3 =	vand.u32 $0x7, v3;
	v4 =	vand.u32 $0xFFFFFFE0, v58  }
0x3d: {  	v3 =	vor.u32 v3, v4  }
0x3e: {  	v4 =	vperm.xlane v3, v0;
	_ =	sdelay $0x1  }
0x3f: {  	v4 =	vadd.s32 v1, v4;
	_ =	sdelay $0x1  }
0x40: {  	v3 =	vperm.xlane v3, v2;
	_ =	sdelay $0x1  }
0x41: {  	s24 =	simm.s32 $0xB000;
	v3 =	vadd.s32 v1, v3  }
0x42: {  	[tilespmem:s24], [sflag:$0x1] =	stream.indirect_vreg.gather [hbm4b:s4+s2], $0x80, v4, vm0, $0xb8;
	[tilespmem:$0x17000] =	vst v63  }
0x43: {  	s25 =	simm.s32 $0xB800  }
0x44: {  	[tilespmem:s25], [sflag:$0x1] =	stream.indirect_vreg.gather [hbm4b:s6+s2], $0x80, v4, vm0, $0xb8;
	[tilespmem:$0x17000] =	vst v63  }
0x45: {  	s26 =	simm.s32 $0xC000  }
0x46: {  	[tilespmem:s26], [sflag:$0x1] =	stream.indirect_vreg.gather [hbm4b:s4+s2], $0x80, v3, vm0, $0xb8;
	[tilespmem:$0x17000] =	vst v63  }
0x47: {  	s21 =	simm.s32 $0xC800  }
0x48: {  	[tilespmem:s21], [sflag:$0x1] =	stream.indirect_vreg.gather [hbm4b:s6+s2], $0x80, v3, vm0, $0xb8;
	[tilespmem:$0x17000] =	vst v63  }
0x49: {  	v3 =	vld [tilespmem:$0x30];
	_ =	sdelay $0x4  }
0x4a: {  	v59 =	vshll.u32 v3, $0x2  }
0x4b: {  	v3 =	vand.u32 $0x7, v3;
	v4 =	vand.u32 $0xFFFFFFE0, v59  }
0x4c: {  	v3 =	vor.u32 v3, v4  }
0x4d: {  	v4 =	vperm.xlane v3, v0;
	_ =	sdelay $0x1  }
0x4e: {  	v4 =	vadd.s32 v1, v4;
	_ =	sdelay $0x1  }
0x4f: {  	v3 =	vperm.xlane v3, v2;
	_ =	sdelay $0x1  }
0x50: {  	s22 =	simm.s32 $0xD000;
	v3 =	vadd.s32 v1, v3  }
0x51: {  	[tilespmem:s22], [sflag:$0x1] =	stream.indirect_vreg.gather [hbm4b:s4+s2], $0x80, v4, vm0, $0xb8;
	[tilespmem:$0x17000] =	vst v63  }
0x52: {  	s23 =	simm.s32 $0xD800  }
0x53: {  	[tilespmem:s23], [sflag:$0x1] =	stream.indirect_vreg.gather [hbm4b:s6+s2], $0x80, v4, vm0, $0xb8;
	[tilespmem:$0x17000] =	vst v63  }
0x54: {  	s24 =	simm.s32 $0xE000  }
0x55: {  	[tilespmem:s24], [sflag:$0x1] =	stream.indirect_vreg.gather [hbm4b:s4+s2], $0x80, v3, vm0, $0xb8;
	[tilespmem:$0x17000] =	vst v63  }
0x56: {  	s25 =	simm.s32 $0xE800  }
0x57: {  	[tilespmem:s25], [sflag:$0x1] =	stream.indirect_vreg.gather [hbm4b:s6+s2], $0x80, v3, vm0, $0xb8;
	[tilespmem:$0x17000] =	vst v63  }
0x58: {  	v3 =	vld [tilespmem:$0x40];
	_ =	sdelay $0x4  }
0x59: {  	v60 =	vshll.u32 v3, $0x2  }
0x5a: {  	v3 =	vand.u32 $0x7, v3;
	v4 =	vand.u32 $0xFFFFFFE0, v60  }
0x5b: {  	v3 =	vor.u32 v3, v4  }
0x5c: {  	v4 =	vperm.xlane v3, v0;
	_ =	sdelay $0x1  }
0x5d: {  	v4 =	vadd.s32 v1, v4;
	_ =	sdelay $0x1  }
0x5e: {  	v3 =	vperm.xlane v3, v2;
	_ =	sdelay $0x1  }
0x5f: {  	v3 =	vadd.s32 v1, v3  }
0x60: {  	[tilespmem:s28], [sflag:$0x2] =	stream.indirect_vreg.gather [hbm4b:s4+s2], $0x80, v4, vm0, $0xb8;
	[tilespmem:$0x17000] =	vst v63  }
0x61: {  	_ = 	snop  }
0x62: {  	[tilespmem:s30], [sflag:$0x2] =	stream.indirect_vreg.gather [hbm4b:s6+s2], $0x80, v4, vm0, $0xb8;
	[tilespmem:$0x17000] =	vst v63  }
0x63: {  	s26 =	simm.s32 $0x10000  }
0x64: {  	[tilespmem:s26], [sflag:$0x2] =	stream.indirect_vreg.gather [hbm4b:s4+s2], $0x80, v3, vm0, $0xb8;
	[tilespmem:$0x17000] =	vst v63  }
0x65: {  	_ = 	snop  }
0x66: {  	[tilespmem:s31], [sflag:$0x2] =	stream.indirect_vreg.gather [hbm4b:s6+s2], $0x80, v3, vm0, $0xb8;
	[tilespmem:$0x17000] =	vst v63  }
0x67: {  	v3 =	vld [tilespmem:$0x50];
	_ =	sdelay $0x4  }
0x68: {  	v61 =	vshll.u32 v3, $0x2  }
0x69: {  	v3 =	vand.u32 $0x7, v3;
	v4 =	vand.u32 $0xFFFFFFE0, v61  }
0x6a: {  	v3 =	vor.u32 v3, v4  }
0x6b: {  	v4 =	vperm.xlane v3, v0;
	_ =	sdelay $0x1  }
0x6c: {  	v4 =	vadd.s32 v1, v4;
	_ =	sdelay $0x1  }
0x6d: {  	v3 =	vperm.xlane v3, v2;
	_ =	sdelay $0x1  }
0x6e: {  	v3 =	vadd.s32 v1, v3  }
0x6f: {  	[tilespmem:s0], [sflag:$0x2] =	stream.indirect_vreg.gather [hbm4b:s4+s2], $0x80, v4, vm0, $0xb8;
	[tilespmem:$0x17000] =	vst v63  }
0x70: {  	_ = 	snop  }
0x71: {  	[tilespmem:s3], [sflag:$0x2] =	stream.indirect_vreg.gather [hbm4b:s6+s2], $0x80, v4, vm0, $0xb8;
	[tilespmem:$0x17000] =	vst v63  }
0x72: {  	_ = 	snop  }
0x73: {  	[tilespmem:s9], [sflag:$0x2] =	stream.indirect_vreg.gather [hbm4b:s4+s2], $0x80, v3, vm0, $0xb8;
	[tilespmem:$0x17000] =	vst v63  }
0x74: {  	_ = 	snop  }
0x75: {  	[tilespmem:s10], [sflag:$0x2] =	stream.indirect_vreg.gather [hbm4b:s6+s2], $0x80, v3, vm0, $0xb8;
	[tilespmem:$0x17000] =	vst v63  }
0x76: {  	v3 =	vld [tilespmem:$0x60];
	_ =	sdelay $0x4  }
0x77: {  	v62 =	vshll.u32 v3, $0x2  }
0x78: {  	v3 =	vand.u32 $0x7, v3;
	v4 =	vand.u32 $0xFFFFFFE0, v62  }
0x79: {  	v3 =	vor.u32 v3, v4  }
0x7a: {  	v4 =	vperm.xlane v3, v0;
	_ =	sdelay $0x1  }
0x7b: {  	v4 =	vadd.s32 v1, v4;
	_ =	sdelay $0x1  }
0x7c: {  	v3 =	vperm.xlane v3, v2;
	_ =	sdelay $0x1  }
0x7d: {  	v3 =	vadd.s32 v1, v3  }
0x7e: {  	[tilespmem:s5], [sflag:$0x2] =	stream.indirect_vreg.gather [hbm4b:s4+s2], $0x80, v4, vm0, $0xb8;
	[tilespmem:$0x17000] =	vst v63  }
0x7f: {  	_ = 	snop  }
0x80: {  	[tilespmem:s8], [sflag:$0x2] =	stream.indirect_vreg.gather [hbm4b:s6+s2], $0x80, v4, vm0, $0xb8;
	[tilespmem:$0x17000] =	vst v63  }
0x81: {  	_ = 	snop  }
0x82: {  	[tilespmem:s12], [sflag:$0x2] =	stream.indirect_vreg.gather [hbm4b:s4+s2], $0x80, v3, vm0, $0xb8;
	[tilespmem:$0x17000] =	vst v63  }
0x83: {  	_ = 	snop  }
0x84: {  	[tilespmem:s13], [sflag:$0x2] =	stream.indirect_vreg.gather [hbm4b:s6+s2], $0x80, v3, vm0, $0xb8;
	[tilespmem:$0x17000] =	vst v63  }
0x85: {  	v3 =	vld [tilespmem:$0x70];
	_ =	sdelay $0x4  }
0x86: {  	v63 =	vshll.u32 v3, $0x2  }
0x87: {  	v3 =	vand.u32 $0x7, v3;
	v4 =	vand.u32 $0xFFFFFFE0, v63  }
0x88: {  	v3 =	vor.u32 v3, v4  }
0x89: {  	v4 =	vperm.xlane v3, v0;
	_ =	sdelay $0x1  }
0x8a: {  	v4 =	vadd.s32 v1, v4;
	_ =	sdelay $0x1  }
0x8b: {  	v3 =	vperm.xlane v3, v2;
	_ =	sdelay $0x1  }
0x8c: {  	v3 =	vadd.s32 v1, v3  }
0x8d: {  	[tilespmem:s14], [sflag:$0x2] =	stream.indirect_vreg.gather [hbm4b:s4+s2], $0x80, v4, vm0, $0xb8;
	[tilespmem:$0x17000] =	vst v63  }
0x8e: {  	_ = 	snop  }
0x8f: {  	[tilespmem:s15], [sflag:$0x2] =	stream.indirect_vreg.gather [hbm4b:s6+s2], $0x80, v4, vm0, $0xb8;
	[tilespmem:$0x17000] =	vst v63  }
0x90: {  	s21 =	simm.s32 $0x600  }
0x91: {  	[tilespmem:s16], [sflag:$0x2] =	stream.indirect_vreg.gather [hbm4b:s4+s2], $0x80, v3, vm0, $0xb8;
	[tilespmem:$0x17000] =	vst v63  }
0x92: {  	s22 =	simm.s32 $0x0;
	s23 =	simm.s32 $0x0;
	s24 =	simm.s32 $0x3  }
0x93: {  	[tilespmem:s17], [sflag:$0x2] =	stream.indirect_vreg.gather [hbm4b:s6+s2], $0x80, v3, vm0, $0xb8;
	[tilespmem:$0x17000] =	vst v63  }
.LBB2_2:
0x94: {  	_ =	swait.ge [sflag:s18], $0x8000  }
0x95: {  	s25 =	sand.u32 $0x3F00000, s23;
	s26 =	sand.u32 $0x6000, s22;
	p0 =	seq.s32 s24, $0x191  }
0x96: {  	[sflag:s18] =	ssyncset.done $0x0;
	s25 =	sadd.s32 s29, s25;
	s26 =	sor.u32 s7, s26  }
.Ltmp2:
0x97: {  	[sflag:s18] =	ssyncadd.s32 $0xFFFF8000;
	s25 =	sadd.s32 s26, s25;
	(pc) =	sbr.rel @p0 .LBB2_4-.Ltmp2, $4  }
0x98: {  	[hbm4b:s25+s2] =	stream.linear.scatter [tilespmem:s11], [sflag:$0x3], $0x8000, $0x38;
	[tilespmem:$0x17000] =	vst v63  }
0x99: {  	_ =	swait.ge [sflag:s19], $0x8000  }
0x9a: {  	[sflag:s19] =	ssyncset.done $0x0  }
0x9b: {  	[sflag:s19] =	ssyncadd.s32 $0xFFFF8000  }
0x9c: {  	s26 =	sadd.s32 $0xFFFFFFFF, s24  }
0x9d: {  	s1 =	sshrl.u32 s26, $0x3  }
0x9e: {  	s30 =	smov.u32 s29;
	s29 =	sand.u32 $0x6, s26;
	s1 =	sand.u32 $0x78, s1  }
0x9f: {  	s26 =	sshll.u32 s26, $0x4;
	s1 =	sor.u32 s29, s1  }
0xa0: {  	s26 =	sand.u32 $0x380, s26;
	s1 =	sshll.u32 s1, $0x9  }
0xa1: {  	s1 =	sor.u32 s26, s1  }
0xa2: {  	v3 =	vld [tilespmem:s1+$0x0];
	_ =	sdelay $0x4  }
0xa3: {  	v4 =	vshll.u32 v3, $0x2  }
0xa4: {  	v3 =	vand.u32 $0x7, v3;
	v4 =	vand.u32 $0xFFFFFFE0, v4  }
0xa5: {  	v3 =	vor.u32 v3, v4  }
0xa6: {  	v4 =	vperm.xlane v3, v0;
	_ =	sdelay $0x1  }
0xa7: {  	v4 =	vadd.s32 v1, v4;
	_ =	sdelay $0x1  }
0xa8: {  	v3 =	vperm.xlane v3, v2;
	_ =	sdelay $0x1  }
0xa9: {  	v3 =	vadd.s32 v1, v3  }
0xaa: {  	[tilespmem:s11], [sflag:$0x1] =	stream.indirect_vreg.gather [hbm4b:s4+s2], $0x80, v4, vm0, $0xb8;
	[tilespmem:$0x17000] =	vst v63  }
0xab: {  	s26 =	simm.s32 $0x7800  }
0xac: {  	[tilespmem:s26], [sflag:$0x1] =	stream.indirect_vreg.gather [hbm4b:s6+s2], $0x80, v4, vm0, $0xb8;
	[tilespmem:$0x17000] =	vst v63  }
0xad: {  	s26 =	simm.s32 $0x8000  }
0xae: {  	[tilespmem:s26], [sflag:$0x1] =	stream.indirect_vreg.gather [hbm4b:s4+s2], $0x80, v3, vm0, $0xb8;
	[tilespmem:$0x17000] =	vst v63  }
0xaf: {  	s26 =	simm.s32 $0x8800  }
0xb0: {  	[tilespmem:s26], [sflag:$0x1] =	stream.indirect_vreg.gather [hbm4b:s6+s2], $0x80, v3, vm0, $0xb8;
	[tilespmem:$0x17000] =	vst v63  }
0xb1: {  	v3 =	vld [tilespmem:s1+$0x10];
	_ =	sdelay $0x4  }
0xb2: {  	v61 =	vshll.u32 v3, $0x2  }
0xb3: {  	v3 =	vand.u32 $0x7, v3;
	v4 =	vand.u32 $0xFFFFFFE0, v61  }
0xb4: {  	v3 =	vor.u32 v3, v4  }
0xb5: {  	v4 =	vperm.xlane v3, v0;
	_ =	sdelay $0x1  }
0xb6: {  	v4 =	vadd.s32 v1, v4;
	_ =	sdelay $0x1  }
0xb7: {  	v3 =	vperm.xlane v3, v2;
	_ =	sdelay $0x1  }
0xb8: {  	s26 =	simm.s32 $0x9000;
	v3 =	vadd.s32 v1, v3  }
0xb9: {  	[tilespmem:s26], [sflag:$0x1] =	stream.indirect_vreg.gather [hbm4b:s4+s2], $0x80, v4, vm0, $0xb8;
	[tilespmem:$0x17000] =	vst v63  }
0xba: {  	s26 =	simm.s32 $0x9800  }
0xbb: {  	[tilespmem:s26], [sflag:$0x1] =	stream.indirect_vreg.gather [hbm4b:s6+s2], $0x80, v4, vm0, $0xb8;
	[tilespmem:$0x17000] =	vst v63  }
0xbc: {  	s26 =	simm.s32 $0xA000  }
0xbd: {  	[tilespmem:s26], [sflag:$0x1] =	stream.indirect_vreg.gather [hbm4b:s4+s2], $0x80, v3, vm0, $0xb8;
	[tilespmem:$0x17000] =	vst v63  }
0xbe: {  	s26 =	simm.s32 $0xA800  }
0xbf: {  	[tilespmem:s26], [sflag:$0x1] =	stream.indirect_vreg.gather [hbm4b:s6+s2], $0x80, v3, vm0, $0xb8;
	[tilespmem:$0x17000] =	vst v63  }
0xc0: {  	v3 =	vld [tilespmem:s1+$0x20];
	_ =	sdelay $0x4  }
0xc1: {  	v62 =	vshll.u32 v3, $0x2  }
0xc2: {  	v3 =	vand.u32 $0x7, v3;
	v4 =	vand.u32 $0xFFFFFFE0, v62  }
0xc3: {  	v3 =	vor.u32 v3, v4  }
0xc4: {  	v4 =	vperm.xlane v3, v0;
	_ =	sdelay $0x1  }
0xc5: {  	v4 =	vadd.s32 v1, v4;
	_ =	sdelay $0x1  }
0xc6: {  	v3 =	vperm.xlane v3, v2;
	_ =	sdelay $0x1  }
0xc7: {  	s26 =	simm.s32 $0xB000;
	v3 =	vadd.s32 v1, v3  }
0xc8: {  	[tilespmem:s26], [sflag:$0x1] =	stream.indirect_vreg.gather [hbm4b:s4+s2], $0x80, v4, vm0, $0xb8;
	[tilespmem:$0x17000] =	vst v63  }
0xc9: {  	s26 =	simm.s32 $0xB800  }
0xca: {  	[tilespmem:s26], [sflag:$0x1] =	stream.indirect_vreg.gather [hbm4b:s6+s2], $0x80, v4, vm0, $0xb8;
	[tilespmem:$0x17000] =	vst v63  }
0xcb: {  	s26 =	simm.s32 $0xC000  }
0xcc: {  	[tilespmem:s26], [sflag:$0x1] =	stream.indirect_vreg.gather [hbm4b:s4+s2], $0x80, v3, vm0, $0xb8;
	[tilespmem:$0x17000] =	vst v63  }
0xcd: {  	s26 =	simm.s32 $0xC800  }
0xce: {  	[tilespmem:s26], [sflag:$0x1] =	stream.indirect_vreg.gather [hbm4b:s6+s2], $0x80, v3, vm0, $0xb8;
	[tilespmem:$0x17000] =	vst v63  }
0xcf: {  	v3 =	vld [tilespmem:s1+$0x30];
	_ =	sdelay $0x4  }
0xd0: {  	v63 =	vshll.u32 v3, $0x2  }
0xd1: {  	v3 =	vand.u32 $0x7, v3;
	v4 =	vand.u32 $0xFFFFFFE0, v63  }
0xd2: {  	v3 =	vor.u32 v3, v4  }
0xd3: {  	v4 =	vperm.xlane v3, v0;
	_ =	sdelay $0x1  }
0xd4: {  	v4 =	vadd.s32 v1, v4;
	_ =	sdelay $0x1  }
0xd5: {  	v3 =	vperm.xlane v3, v2;
	_ =	sdelay $0x1  }
0xd6: {  	s26 =	simm.s32 $0xD000;
	v3 =	vadd.s32 v1, v3  }
0xd7: {  	[tilespmem:s26], [sflag:$0x1] =	stream.indirect_vreg.gather [hbm4b:s4+s2], $0x80, v4, vm0, $0xb8;
	[tilespmem:$0x17000] =	vst v63  }
0xd8: {  	s26 =	simm.s32 $0xD800  }
0xd9: {  	[tilespmem:s26], [sflag:$0x1] =	stream.indirect_vreg.gather [hbm4b:s6+s2], $0x80, v4, vm0, $0xb8;
	[tilespmem:$0x17000] =	vst v63  }
0xda: {  	s26 =	simm.s32 $0xE000  }
0xdb: {  	[tilespmem:s26], [sflag:$0x1] =	stream.indirect_vreg.gather [hbm4b:s4+s2], $0x80, v3, vm0, $0xb8;
	[tilespmem:$0x17000] =	vst v63  }
0xdc: {  	s29 =	smov.u32 s30;
	s30 =	simm.s32 $0xF800;
	s26 =	simm.s32 $0xE800  }
0xdd: {  	[tilespmem:s26], [sflag:$0x1] =	stream.indirect_vreg.gather [hbm4b:s6+s2], $0x80, v3, vm0, $0xb8;
	[tilespmem:$0x17000] =	vst v63  }
.LBB2_4:
0xde: {  	_ =	swait.ge [sflag:s20], $0x8000  }
0xdf: {  	[sflag:s20] =	ssyncset.done $0x0  }
.Ltmp3:
0xe0: {  	s1 =	sadd.s32 $0x1000, s25;
	[sflag:s20] =	ssyncadd.s32 $0xFFFF8000;
	(pc) =	sbr.rel @p0 .LBB2_6-.Ltmp3, $4  }
0xe1: {  	[hbm4b:s1+s2] =	stream.linear.scatter [tilespmem:s28], [sflag:$0x3], $0x8000, $0x38;
	[tilespmem:$0x17000] =	vst v63  }
0xe2: {  	_ =	swait.ge [sflag:s19], $0x8000  }
0xe3: {  	[sflag:s19] =	ssyncset.done $0x0  }
0xe4: {  	[sflag:s19] =	ssyncadd.s32 $0xFFFF8000  }
0xe5: {  	s1 =	sshll.u32 s24, $0x6  }
0xe6: {  	s25 =	sand.u32 $0xC00, s21;
	s26 =	sshll.u32 s24, $0x4;
	s1 =	sand.u32 $0xF000, s1  }
0xe7: {  	s26 =	sand.u32 $0x380, s26;
	s1 =	sor.u32 s25, s1  }
0xe8: {  	s1 =	sor.u32 s26, s1  }
0xe9: {  	v3 =	vld [tilespmem:s1+$0x40];
	_ =	sdelay $0x4  }
0xea: {  	v4 =	vshll.u32 v3, $0x2  }
0xeb: {  	v3 =	vand.u32 $0x7, v3;
	v4 =	vand.u32 $0xFFFFFFE0, v4  }
0xec: {  	v3 =	vor.u32 v3, v4  }
0xed: {  	v4 =	vperm.xlane v3, v0;
	_ =	sdelay $0x1  }
0xee: {  	v4 =	vadd.s32 v1, v4;
	_ =	sdelay $0x1  }
0xef: {  	v3 =	vperm.xlane v3, v2;
	_ =	sdelay $0x1  }
0xf0: {  	v3 =	vadd.s32 v1, v3  }
0xf1: {  	[tilespmem:s28], [sflag:$0x2] =	stream.indirect_vreg.gather [hbm4b:s4+s2], $0x80, v4, vm0, $0xb8;
	[tilespmem:$0x17000] =	vst v63  }
0xf2: {  	_ = 	snop  }
0xf3: {  	[tilespmem:s30], [sflag:$0x2] =	stream.indirect_vreg.gather [hbm4b:s6+s2], $0x80, v4, vm0, $0xb8;
	[tilespmem:$0x17000] =	vst v63  }
0xf4: {  	s26 =	simm.s32 $0x10000  }
0xf5: {  	[tilespmem:s26], [sflag:$0x2] =	stream.indirect_vreg.gather [hbm4b:s4+s2], $0x80, v3, vm0, $0xb8;
	[tilespmem:$0x17000] =	vst v63  }
0xf6: {  	_ = 	snop  }
0xf7: {  	[tilespmem:s31], [sflag:$0x2] =	stream.indirect_vreg.gather [hbm4b:s6+s2], $0x80, v3, vm0, $0xb8;
	[tilespmem:$0x17000] =	vst v63  }
0xf8: {  	v3 =	vld [tilespmem:s1+$0x50];
	_ =	sdelay $0x4  }
0xf9: {  	v61 =	vshll.u32 v3, $0x2  }
0xfa: {  	v3 =	vand.u32 $0x7, v3;
	v4 =	vand.u32 $0xFFFFFFE0, v61  }
0xfb: {  	v3 =	vor.u32 v3, v4  }
0xfc: {  	v4 =	vperm.xlane v3, v0;
	_ =	sdelay $0x1  }
0xfd: {  	v4 =	vadd.s32 v1, v4;
	_ =	sdelay $0x1  }
0xfe: {  	v3 =	vperm.xlane v3, v2;
	_ =	sdelay $0x1  }
0xff: {  	v3 =	vadd.s32 v1, v3  }
0x100: {  	[tilespmem:s0], [sflag:$0x2] =	stream.indirect_vreg.gather [hbm4b:s4+s2], $0x80, v4, vm0, $0xb8;
	[tilespmem:$0x17000] =	vst v63  }
0x101: {  	_ = 	snop  }
0x102: {  	[tilespmem:s3], [sflag:$0x2] =	stream.indirect_vreg.gather [hbm4b:s6+s2], $0x80, v4, vm0, $0xb8;
	[tilespmem:$0x17000] =	vst v63  }
0x103: {  	_ = 	snop  }
0x104: {  	[tilespmem:s9], [sflag:$0x2] =	stream.indirect_vreg.gather [hbm4b:s4+s2], $0x80, v3, vm0, $0xb8;
	[tilespmem:$0x17000] =	vst v63  }
0x105: {  	_ = 	snop  }
0x106: {  	[tilespmem:s10], [sflag:$0x2] =	stream.indirect_vreg.gather [hbm4b:s6+s2], $0x80, v3, vm0, $0xb8;
	[tilespmem:$0x17000] =	vst v63  }
0x107: {  	v3 =	vld [tilespmem:s1+$0x60];
	_ =	sdelay $0x4  }
0x108: {  	v62 =	vshll.u32 v3, $0x2  }
0x109: {  	v3 =	vand.u32 $0x7, v3;
	v4 =	vand.u32 $0xFFFFFFE0, v62  }
0x10a: {  	v3 =	vor.u32 v3, v4  }
0x10b: {  	v4 =	vperm.xlane v3, v0;
	_ =	sdelay $0x1  }
0x10c: {  	v4 =	vadd.s32 v1, v4;
	_ =	sdelay $0x1  }
0x10d: {  	v3 =	vperm.xlane v3, v2;
	_ =	sdelay $0x1  }
0x10e: {  	v3 =	vadd.s32 v1, v3  }
0x10f: {  	[tilespmem:s5], [sflag:$0x2] =	stream.indirect_vreg.gather [hbm4b:s4+s2], $0x80, v4, vm0, $0xb8;
	[tilespmem:$0x17000] =	vst v63  }
0x110: {  	_ = 	snop  }
0x111: {  	[tilespmem:s8], [sflag:$0x2] =	stream.indirect_vreg.gather [hbm4b:s6+s2], $0x80, v4, vm0, $0xb8;
	[tilespmem:$0x17000] =	vst v63  }
0x112: {  	_ = 	snop  }
0x113: {  	[tilespmem:s12], [sflag:$0x2] =	stream.indirect_vreg.gather [hbm4b:s4+s2], $0x80, v3, vm0, $0xb8;
	[tilespmem:$0x17000] =	vst v63  }
0x114: {  	_ = 	snop  }
0x115: {  	[tilespmem:s13], [sflag:$0x2] =	stream.indirect_vreg.gather [hbm4b:s6+s2], $0x80, v3, vm0, $0xb8;
	[tilespmem:$0x17000] =	vst v63  }
0x116: {  	v3 =	vld [tilespmem:s1+$0x70];
	_ =	sdelay $0x4  }
0x117: {  	v63 =	vshll.u32 v3, $0x2  }
0x118: {  	v3 =	vand.u32 $0x7, v3;
	v4 =	vand.u32 $0xFFFFFFE0, v63  }
0x119: {  	v3 =	vor.u32 v3, v4  }
0x11a: {  	v4 =	vperm.xlane v3, v0;
	_ =	sdelay $0x1  }
0x11b: {  	v4 =	vadd.s32 v1, v4;
	_ =	sdelay $0x2  }
0x11c: {  	v3 =	vperm.xlane v3, v2;
	_ =	sdelay $0x1  }
0x11d: {  	v3 =	vadd.s32 v1, v3;
	[tilespmem:s14], [sflag:$0x2] =	stream.indirect_vreg.gather [hbm4b:s4+s2], $0x80, v4, vm0, $0xb8;
	[tilespmem:$0x17000] =	vst v63  }
0x11e: {  	_ = 	snop  }
0x11f: {  	[tilespmem:s15], [sflag:$0x2] =	stream.indirect_vreg.gather [hbm4b:s6+s2], $0x80, v4, vm0, $0xb8;
	[tilespmem:$0x17000] =	vst v63  }
.Ltmp4:
0x120: {  	_ = 	snop;
	(pc) =	sbr.rel .LBB2_2-.Ltmp4, $4  }
0x121: {  	s24 =	sadd.s32 $0x2, s24  }
0x122: {  	[tilespmem:s16], [sflag:$0x2] =	stream.indirect_vreg.gather [hbm4b:s4+s2], $0x80, v3, vm0, $0xb8;
	[tilespmem:$0x17000] =	vst v63  }
0x123: {  	s21 =	sadd.s32 $0x400, s21;
	s23 =	sadd.s32 $0x40000, s23;
	s22 =	sadd.s32 $0x2000, s22  }
0x124: {  	[tilespmem:s17], [sflag:$0x2] =	stream.indirect_vreg.gather [hbm4b:s6+s2], $0x80, v3, vm0, $0xb8;
	[tilespmem:$0x17000] =	vst v63  }
.LBB2_7:
0x125: {  	_ =	sfence.sel $0x180000  }
0x126: {  	[bflag:$0x0] =	sbarrier.arrive $0xFFFF  }
0x127: {  	_ =	strace $0x90000047  }
0x128: {  	s0 =	stileid.u32;
	[bflag:$0x2] =	sbarrier.arrive $0xFFFF  }
0x129: {  	p0 =	sne.s32 s0, $0x0;
	s0 =	rddreg [dreg:$0x3]  }
0x12a: {  	s0 =	sadd.s32 @!p0 $0x100000, s0  }
0x12b: {  	[sflag:s0] =	ssyncadd.tile.s32 @!p0 $0x1;
	_ =	shalt  }
.Lfunc_end2:
_tile_overlayer_lowered:
.L_overlay_start_2:
0x12c: {  	(tag) =	ssettag $0x2  }
0x12d: {  	s0 =	rddreg [dreg:$0x0];
	s2 =	stileid.u32  }
0x12e: {  	s1 =	rddreg [dreg:$0x1];
	p0 =	sne.s32 s2, $0x0  }
0x12f: {  	s3 =	rddreg [dreg:$0x2];
	[bflag:$0x3] =	sbarrier.arrive $0xFFFF;
	s2 =	simm.s32 @!p0 $0x1C03  }
0x130: {  	[timem:s3], [sflag:s2] =	dma.local @!p0 [hbm:s0], s1  }
0x131: {  	s0 =	simm.s32 @!p0 $0x3  }
0x132: {  	_ =	swait.ge @!p0 [sflag:s0], s1  }
0x133: {  	s1 =	ssub.s32 @!p0 $0x0, s1;
	[sflag:s0] =	ssyncset.done @!p0 $0x0  }
0x134: {  	[sflag:s0] =	ssyncadd.s32 @!p0 s1  }
0x135: {  	[bflag:$0x3] =	sbarrier.arrive $0xFFFF  }
0x136: {  	_ =	shalt  }

</sc_bundles>
